<compile_context>
chip_gen: v7x
topology: tpu7x:2x2x1
jax: 0.10.2.dev20260603
libtpu: 0.0.44.dev20260713+nightly
codegen_flags: <defaults>
</compile_context>

<pallas_src>
import functools

import jax
import jax.numpy as jnp
import numpy as np
from jax import lax
from jax.experimental import pallas as pl
from jax.experimental.pallas import tpu as pltpu
from jax.experimental.pallas import tpu_sc as plsc

B, T, L, V, D = 1024, 26, 20, 100000, 128
HID = 512

NC, NS = 2, 16
NW = NC * NS
NBAGS = B * T
BAGS_PER_W = NBAGS // NW
GROUP_BAGS = 64
GROUPS = BAGS_PER_W // GROUP_BAGS
ROWS_PER_GROUP = GROUP_BAGS * L
CHUNK = 128
CHUNKS_PER_GROUP = ROWS_PER_GROUP // CHUNK
CHUNKS_PER_W = GROUPS * CHUNKS_PER_GROUP
TOTAL_ROWS = NBAGS * L
TOTAL_CHUNKS = TOTAL_ROWS // CHUNK

_SIDX = ((np.arange(ROWS_PER_GROUP, dtype=np.int32) // L).reshape(
    1, 1, CHUNKS_PER_GROUP, CHUNK)
         + (np.arange(2, dtype=np.int32) * GROUP_BAGS)[None, :, None, None]
         + (np.arange(NS, dtype=np.int32) * 2 * GROUP_BAGS)[:, None, None,
                                                            None]
         ).reshape(NS * 2 * CHUNKS_PER_GROUP, 1, CHUNK)


def _sc_embedding_bags(table_flat, idx, sidx, zeros_blk):
  mesh = plsc.VectorSubcoreMesh(core_axis_name="c", subcore_axis_name="s")

  @functools.partial(
      pl.kernel,
      out_type=jax.ShapeDtypeStruct((NBAGS, D), jnp.float32),
      mesh=mesh,
      scratch_types=[
          pltpu.VMEM((2, CHUNKS_PER_GROUP, 1, CHUNK), jnp.int32),
          pltpu.VMEM((2 * CHUNKS_PER_GROUP, 1, CHUNK), jnp.int32),
          pltpu.VMEM((2, CHUNK, D), jnp.float32),
          pltpu.VMEM((CHUNK, D), jnp.float32),
          pltpu.VMEM_SHARED((NS * 2 * GROUP_BAGS, D), jnp.float32),
          pltpu.SemaphoreType.DMA,
          pltpu.SemaphoreType.DMA,
      ],
  )
  def kern(table_hbm, idx_hbm, sidx_hbm, zeros_hbm, out_hbm,
           idx_v, sidx_v, rows_v, zero_v, acc_sh, gsem, osem):
    sid = lax.axis_index("s")
    wid = lax.axis_index("c") * NS + sid
    pltpu.sync_copy(sidx_hbm.at[pl.ds(sid * 2 * CHUNKS_PER_GROUP,
                                      2 * CHUNKS_PER_GROUP)], sidx_v)
    pltpu.sync_copy(zeros_hbm, zero_v)
    abase = sid * 2 * GROUP_BAGS

    def fire_gather(p, k, buf):
      pltpu.async_copy(table_hbm.at[idx_v.at[p, k, 0]], rows_v.at[buf], gsem)

    def wait_gather(p, k, buf):
      pltpu.make_async_copy(table_hbm.at[idx_v.at[p, k, 0]],
                            rows_v.at[buf], gsem).wait()

    pltpu.sync_copy(idx_hbm.at[pl.ds(wid * CHUNKS_PER_W, CHUNKS_PER_GROUP)],
                    idx_v.at[0])
    fire_gather(0, 0, 0)

    @pl.loop(0, GROUPS)
    def _(g):
      p = lax.rem(g, 2)
      pn = 1 - p
      rbase = abase + p * GROUP_BAGS

      @pl.when(g >= 2)
      def _():
        pltpu.make_async_copy(acc_sh.at[pl.ds(rbase, GROUP_BAGS)],
                              out_hbm.at[pl.ds(0, GROUP_BAGS)], osem).wait()
      pltpu.sync_copy(zero_v.at[pl.ds(0, GROUP_BAGS)],
                      acc_sh.at[pl.ds(rbase, GROUP_BAGS)])

      @pl.when(g < GROUPS - 1)
      def _():
        cbase = wid * CHUNKS_PER_W + (g + 1) * CHUNKS_PER_GROUP
        pltpu.sync_copy(idx_hbm.at[pl.ds(cbase, CHUNKS_PER_GROUP)],
                        idx_v.at[pn])

      for k in range(CHUNKS_PER_GROUP):
        buf = k % 2
        wait_gather(p, k, buf)
        if k < CHUNKS_PER_GROUP - 1:
          fire_gather(p, k + 1, 1 - buf)
        else:
          @pl.when(g < GROUPS - 1)
          def _():
            fire_gather(pn, 0, 1 - buf)
        pltpu.sync_copy(rows_v.at[buf],
                        acc_sh.at[sidx_v.at[p * CHUNKS_PER_GROUP + k, 0]],
                        add=True)

      pltpu.sync_copy(
          zero_v,
          acc_sh.at[sidx_v.at[(p + 1) * CHUNKS_PER_GROUP - 1, 0]], add=True)
      obase = wid * BAGS_PER_W + g * GROUP_BAGS
      pltpu.async_copy(acc_sh.at[pl.ds(rbase, GROUP_BAGS)],
                       out_hbm.at[pl.ds(obase, GROUP_BAGS)], osem)

    for _ in range(2):
      pltpu.make_async_copy(acc_sh.at[pl.ds(abase, GROUP_BAGS)],
                            out_hbm.at[pl.ds(0, GROUP_BAGS)], osem).wait()

  return kern(table_flat, idx, sidx, zeros_blk)


def _dense_mlp_body(x_ref, w1_ref, b1_ref, w2_ref, b2_ref, o_ref):
  h = jnp.maximum(jnp.dot(x_ref[...], w1_ref[...],
                          preferred_element_type=jnp.float32) + b1_ref[...],
                  0.0)
  o = jnp.dot(h, w2_ref[...], preferred_element_type=jnp.float32) + b2_ref[...]
  o_ref[...] = jnp.maximum(o, 0.0).astype(jnp.bfloat16)


def _dense_mlp(x, w1, b1, w2, b2):
  return pl.pallas_call(
      _dense_mlp_body,
      out_shape=jax.ShapeDtypeStruct((B, D), jnp.bfloat16),
  )(x, w1, b1.reshape(1, -1), w2, b2.reshape(1, -1))


def _top_mlp_body(dx_ref, emb_ref, w1a_ref, w1b_ref, b1_ref, w2_ref, b2_ref,
                  o_ref):
  h = jnp.dot(dx_ref[...], w1a_ref[...].astype(jnp.bfloat16),
              preferred_element_type=jnp.float32)
  h += jnp.dot(emb_ref[...], w1b_ref[...].astype(jnp.bfloat16),
               preferred_element_type=jnp.float32)
  h = jnp.maximum(h + b1_ref[...], 0.0)
  o = jnp.dot(h, w2_ref[...], preferred_element_type=jnp.float32)
  o_ref[...] = jnp.maximum(o + b2_ref[...], 0.0)


def _top_mlp(dense_x, emb_flat, w1a, w1b, b1, w2_pad, b2):
  blk = 256
  grid = (B // blk,)
  return pl.pallas_call(
      _top_mlp_body,
      grid=grid,
      in_specs=[
          pl.BlockSpec((blk, D), lambda i: (i, 0)),
          pl.BlockSpec((blk, T * D), lambda i: (i, 0)),
          pl.BlockSpec((D, HID), lambda i: (0, 0)),
          pl.BlockSpec((T * D, HID), lambda i: (0, 0)),
          pl.BlockSpec((1, HID), lambda i: (0, 0)),
          pl.BlockSpec((HID, 128), lambda i: (0, 0)),
          pl.BlockSpec((1, 1), lambda i: (0, 0)),
      ],
      out_specs=pl.BlockSpec((blk, 128), lambda i: (i, 0)),
      out_shape=jax.ShapeDtypeStruct((B, 128), jnp.float32),
  )(dense_x, emb_flat, w1a, w1b, b1.reshape(1, -1), w2_pad, b2.reshape(1, 1))


def kernel(dense_features, sharded_sparse_features, tables,
           d_W1, d_b1, d_W2, d_b2, o_W1, o_b1, o_W2, o_b2):
  offs = (jnp.arange(T, dtype=jnp.int32) * V)[None, :, None]
  idx = (sharded_sparse_features.astype(jnp.int32) + offs).reshape(
      TOTAL_CHUNKS, 1, CHUNK)
  table_flat = tables.reshape(T * V, D)
  sidx = jnp.asarray(_SIDX)
  zeros_blk = jnp.zeros((CHUNK, D), jnp.float32)

  emb = _sc_embedding_bags(table_flat, idx, sidx, zeros_blk)
  dense_x = _dense_mlp(dense_features, d_W1, d_b1, d_W2, d_b2)
  emb_bf = emb.reshape(B, T * D).astype(jnp.bfloat16)
  w2_pad = jnp.pad(o_W2, ((0, 0), (0, 127)))
  logits_pad = _top_mlp(dense_x, emb_bf,
                        o_W1[:D], o_W1[D:], o_b1, w2_pad, o_b2)
  return logits_pad[:, :1]

# --- scband reference (transcript-rebuilt; emitter-appended) ---
"""Pipeline reference for scband-distributed-uniform-sharded-snn-89704686944333 (READ-ONLY COPY).

The authoritative reference and input builder live on the scoring server;
editing this copy changes nothing except your own understanding.
"""

import jax, jax.numpy as jnp
import numpy as np

B, T, L, V, D = 1024, 26, 20, 100000, 128
DENSE_DIM = 128
CAT_DIM = D * T + D  # 3456
HID = 512


def _mlp(x, W1, b1, W2, b2):
    h = jnp.maximum(x @ W1 + b1, 0.0)
    o = h @ W2 + b2
    return jnp.maximum(o, 0.0)


def setup_inputs(seed: int = 0) -> dict:
    key = jax.random.key(seed)
    ks = jax.random.split(key, 12)
    dense_features = jax.random.normal(ks[0], (B, DENSE_DIM), dtype=jnp.float32)
    sharded_sparse_features = jax.random.randint(ks[1], (B, T, L), 0, V)
    tables = jax.random.normal(ks[2], (T, V, D), dtype=jnp.float32) * 0.01
    d_W1 = jax.random.normal(ks[3], (DENSE_DIM, DENSE_DIM), dtype=jnp.float32) * 0.05
    d_b1 = jnp.zeros((DENSE_DIM,), dtype=jnp.float32)
    d_W2 = jax.random.normal(ks[4], (DENSE_DIM, D), dtype=jnp.float32) * 0.05
    d_b2 = jnp.zeros((D,), dtype=jnp.float32)
    o_W1 = jax.random.normal(ks[5], (CAT_DIM, HID), dtype=jnp.float32) * 0.02
    o_b1 = jnp.zeros((HID,), dtype=jnp.float32)
    o_W2 = jax.random.normal(ks[6], (HID, 1), dtype=jnp.float32) * 0.05
    o_b2 = jnp.zeros((1,), dtype=jnp.float32)
    return {
        'dense_features': dense_features,
        'sharded_sparse_features': sharded_sparse_features,
        'tables': tables,
        'd_W1': d_W1, 'd_b1': d_b1, 'd_W2': d_W2, 'd_b2': d_b2,
        'o_W1': o_W1, 'o_b1': o_b1, 'o_W2': o_W2, 'o_b2': o_b2,
    }


def reference(dense_features, sharded_sparse_features, tables,
              d_W1, d_b1, d_W2, d_b2, o_W1, o_b1, o_W2, o_b2):
    # dense MLP (fc1 -> relu -> fc2 -> relu)
    dense_x = _mlp(dense_features, d_W1, d_b1, d_W2, d_b2)
    # uniform-sharded embedding bags: per-table gather + sum-pool over bag dim.
    # world_size == 1, so ReduceScatterFunction is the identity on the local shard.
    t_idx = jnp.arange(T)[None, :, None]  # [1, T, 1]
    emb = tables[t_idx, sharded_sparse_features]  # [B, T, L, D]
    embeddings_x = emb.sum(axis=2)  # [B, T, D]
    features = jnp.concatenate([dense_x, embeddings_x.reshape(B, T * D)], axis=1)
    logits = _mlp(features, o_W1, o_b1, o_W2, o_b2)
    return logits

if __name__ == "__main__":
    import jax
    _d = setup_inputs()
    print(jax.jit(kernel)(*tuple(_d.values())))

</pallas_src>

<mosaic_0001>
#map = affine_map<(d0, d1) -> (0, 0)>
#map1 = affine_map<(d0, d1) -> (0, 0, 0)>
module attributes {stable_mosaic.version = 14 : i64} {
  func.func @kern(%arg0: i32, %arg1: i32, %arg2: memref<2600000x128xf32, #tpu.memory_space<hbm>>, %arg3: memref<4160x1x128xi32, #tpu.memory_space<hbm>>, %arg4: memref<320x1x128xi32, #tpu.memory_space<hbm>>, %arg5: memref<128x128xf32, #tpu.memory_space<hbm>>, %arg6: memref<26624x128xf32, #tpu.memory_space<hbm>>, %arg7: memref<2x10x1x128xi32, #tpu.memory_space<vmem>>, %arg8: memref<20x1x128xi32, #tpu.memory_space<vmem>>, %arg9: memref<2x128x128xf32, #tpu.memory_space<vmem>>, %arg10: memref<128x128xf32, #tpu.memory_space<vmem>>, %arg11: memref<2048x128xf32, #tpu.memory_space<vmem_shared>>, %arg12: memref<!tpu.dma_semaphore, #tpu.memory_space<semaphore_mem>>, %arg13: memref<!tpu.dma_semaphore, #tpu.memory_space<semaphore_mem>>) attributes {dimension_semantics = [#tpu.dimension_semantics<core_parallel>, #tpu.dimension_semantics<subcore_parallel>], iteration_bounds = array<i64: 2, 16>, scalar_prefetch = 0 : i64, scratch_operands = 7 : i64, tpu.core_type = #tpu.core_type<sc_vector_subcore>, window_params = [{transform_indices = #map}, {transform_indices = #map1}, {transform_indices = #map1}, {transform_indices = #map}, {transform_indices = #map}]} {
    %mul3A = arith.constant 16 : i32
    %mul3A_0 = arith.muli %arg0, %mul3A : i32
    %add3A = arith.addi %mul3A_0, %arg1 : i32
    %mul3A_1 = arith.constant 2 : i32
    %mul3A_2 = arith.muli %arg1, %mul3A_1 : i32
    %mul3A_3 = arith.constant 10 : i32
    %mul3A_4 = arith.muli %mul3A_2, %mul3A_3 : i32
    "tpu.region"() ({
      %run_scoped3A_37 = tpu.sem_alloc : memref<!tpu.dma_semaphore, #tpu.memory_space<semaphore_mem>>
      %dma_start3A_38 = arith.constant 0 : i32
      %dma_start3A_39 = arith.constant 0 : i32
      %dma_start3A_40 = tpu.memref_slice %arg4[%mul3A_4, %dma_start3A_38, %dma_start3A_39] : memref<320x1x128xi32, #tpu.memory_space<hbm>> -> memref<20x1x128xi32, #tpu.memory_space<hbm>>
      %dma_start3A_41 = arith.constant 0 : i32
      %dma_start3A_42 = arith.constant 0 : i32
      %dma_start3A_43 = tpu.memref_slice %arg4[%mul3A_4, %dma_start3A_41, %dma_start3A_42] : memref<320x1x128xi32, #tpu.memory_space<hbm>> -> memref<20x1x128xi32, #tpu.memory_space<hbm>>
      tpu.enqueue_dma source(%dma_start3A_43 : memref<20x1x128xi32, #tpu.memory_space<hbm>>) target(%arg8 : memref<20x1x128xi32, #tpu.memory_space<vmem>>) target_semaphore(%run_scoped3A_37 : memref<!tpu.dma_semaphore, #tpu.memory_space<semaphore_mem>>)
      %dma_wait3A_44 = arith.constant 0 : i32
      %dma_wait3A_45 = arith.constant 0 : i32
      %dma_wait3A_46 = tpu.memref_slice %arg4[%mul3A_4, %dma_wait3A_44, %dma_wait3A_45] : memref<320x1x128xi32, #tpu.memory_space<hbm>> -> memref<20x1x128xi32, #tpu.memory_space<hbm>>
      %dma_wait3A_47 = arith.constant 0 : i32
      %dma_wait3A_48 = arith.constant 0 : i32
      %dma_wait3A_49 = tpu.memref_slice %arg4[%mul3A_4, %dma_wait3A_47, %dma_wait3A_48] : memref<320x1x128xi32, #tpu.memory_space<hbm>> -> memref<20x1x128xi32, #tpu.memory_space<hbm>>
      tpu.wait_dma2 semaphore(%run_scoped3A_37 : memref<!tpu.dma_semaphore, #tpu.memory_space<semaphore_mem>>) src(%dma_wait3A_49 : memref<20x1x128xi32, #tpu.memory_space<hbm>>) dst(%arg8 : memref<20x1x128xi32, #tpu.memory_space<vmem>>)
      tpu.yield
    }) : () -> ()
    "tpu.region"() ({
      %run_scoped3A_37 = tpu.sem_alloc : memref<!tpu.dma_semaphore, #tpu.memory_space<semaphore_mem>>
      tpu.enqueue_dma source(%arg5 : memref<128x128xf32, #tpu.memory_space<hbm>>) target(%arg10 : memref<128x128xf32, #tpu.memory_space<vmem>>) target_semaphore(%run_scoped3A_37 : memref<!tpu.dma_semaphore, #tpu.memory_space<semaphore_mem>>)
      tpu.wait_dma2 semaphore(%run_scoped3A_37 : memref<!tpu.dma_semaphore, #tpu.memory_space<semaphore_mem>>) src(%arg5 : memref<128x128xf32, #tpu.memory_space<hbm>>) dst(%arg10 : memref<128x128xf32, #tpu.memory_space<vmem>>)
      tpu.yield
    }) : () -> ()
    %mul3A_5 = arith.constant 2 : i32
    %mul3A_6 = arith.muli %arg1, %mul3A_5 : i32
    %mul3A_7 = arith.constant 64 : i32
    %mul3A_8 = arith.muli %mul3A_6, %mul3A_7 : i32
    %mul3A_9 = arith.constant 130 : i32
    %mul3A_10 = arith.muli %add3A, %mul3A_9 : i32
    %run_scoped3A = arith.constant 0 : i32
    "tpu.region"() ({
      %run_scoped3A_37 = tpu.sem_alloc : memref<!tpu.dma_semaphore, #tpu.memory_space<semaphore_mem>>
      %dma_start3A_38 = arith.constant 0 : i32
      %dma_start3A_39 = arith.constant 0 : i32
      %dma_start3A_40 = arith.constant 0 : i32
      %dma_start3A_41 = tpu.memref_slice %arg7[%run_scoped3A, %dma_start3A_38, %dma_start3A_39, %dma_start3A_40] : memref<2x10x1x128xi32, #tpu.memory_space<vmem>> -> memref<1x10x1x128xi32, #tpu.memory_space<vmem>>
      %dma_start3A_42 = tpu.memref_squeeze %dma_start3A_41 : memref<1x10x1x128xi32, #tpu.memory_space<vmem>> -> memref<10x1x128xi32, #tpu.memory_space<vmem>>
      %dma_start3A_43 = arith.constant 0 : i32
      %dma_start3A_44 = arith.constant 0 : i32
      %dma_start3A_45 = tpu.memref_slice %arg3[%mul3A_10, %dma_start3A_43, %dma_start3A_44] : memref<4160x1x128xi32, #tpu.memory_space<hbm>> -> memref<10x1x128xi32, #tpu.memory_space<hbm>>
      %dma_start3A_46 = arith.constant 0 : i32
      %dma_start3A_47 = arith.constant 0 : i32
      %dma_start3A_48 = arith.constant 0 : i32
      %dma_start3A_49 = tpu.memref_slice %arg7[%run_scoped3A, %dma_start3A_46, %dma_start3A_47, %dma_start3A_48] : memref<2x10x1x128xi32, #tpu.memory_space<vmem>> -> memref<1x10x1x128xi32, #tpu.memory_space<vmem>>
      %dma_start3A_50 = tpu.memref_squeeze %dma_start3A_49 : memref<1x10x1x128xi32, #tpu.memory_space<vmem>> -> memref<10x1x128xi32, #tpu.memory_space<vmem>>
      %dma_start3A_51 = arith.constant 0 : i32
      %dma_start3A_52 = arith.constant 0 : i32
      %dma_start3A_53 = tpu.memref_slice %arg3[%mul3A_10, %dma_start3A_51, %dma_start3A_52] : memref<4160x1x128xi32, #tpu.memory_space<hbm>> -> memref<10x1x128xi32, #tpu.memory_space<hbm>>
      tpu.enqueue_dma source(%dma_start3A_53 : memref<10x1x128xi32, #tpu.memory_space<hbm>>) target(%dma_start3A_50 : memref<10x1x128xi32, #tpu.memory_space<vmem>>) target_semaphore(%run_scoped3A_37 : memref<!tpu.dma_semaphore, #tpu.memory_space<semaphore_mem>>)
      %dma_wait3A_54 = arith.constant 0 : i32
      %dma_wait3A_55 = arith.constant 0 : i32
      %dma_wait3A_56 = arith.constant 0 : i32
      %dma_wait3A_57 = tpu.memref_slice %arg7[%run_scoped3A, %dma_wait3A_54, %dma_wait3A_55, %dma_wait3A_56] : memref<2x10x1x128xi32, #tpu.memory_space<vmem>> -> memref<1x10x1x128xi32, #tpu.memory_space<vmem>>
      %dma_wait3A_58 = tpu.memref_squeeze %dma_wait3A_57 : memref<1x10x1x128xi32, #tpu.memory_space<vmem>> -> memref<10x1x128xi32, #tpu.memory_space<vmem>>
      %dma_wait3A_59 = arith.constant 0 : i32
      %dma_wait3A_60 = arith.constant 0 : i32
      %dma_wait3A_61 = tpu.memref_slice %arg3[%mul3A_10, %dma_wait3A_59, %dma_wait3A_60] : memref<4160x1x128xi32, #tpu.memory_space<hbm>> -> memref<10x1x128xi32, #tpu.memory_space<hbm>>
      %dma_wait3A_62 = arith.constant 0 : i32
      %dma_wait3A_63 = arith.constant 0 : i32
      %dma_wait3A_64 = arith.constant 0 : i32
      %dma_wait3A_65 = tpu.memref_slice %arg7[%run_scoped3A, %dma_wait3A_62, %dma_wait3A_63, %dma_wait3A_64] : memref<2x10x1x128xi32, #tpu.memory_space<vmem>> -> memref<1x10x1x128xi32, #tpu.memory_space<vmem>>
      %dma_wait3A_66 = tpu.memref_squeeze %dma_wait3A_65 : memref<1x10x1x128xi32, #tpu.memory_space<vmem>> -> memref<10x1x128xi32, #tpu.memory_space<vmem>>
      %dma_wait3A_67 = arith.constant 0 : i32
      %dma_wait3A_68 = arith.constant 0 : i32
      %dma_wait3A_69 = tpu.memref_slice %arg3[%mul3A_10, %dma_wait3A_67, %dma_wait3A_68] : memref<4160x1x128xi32, #tpu.memory_space<hbm>> -> memref<10x1x128xi32, #tpu.memory_space<hbm>>
      tpu.wait_dma2 semaphore(%run_scoped3A_37 : memref<!tpu.dma_semaphore, #tpu.memory_space<semaphore_mem>>) src(%dma_wait3A_69 : memref<10x1x128xi32, #tpu.memory_space<hbm>>) dst(%dma_wait3A_66 : memref<10x1x128xi32, #tpu.memory_space<vmem>>)
      tpu.yield
    }) : () -> ()
    %dma_start3A = arith.constant 0 : i32
    %dma_start3A_11 = arith.constant 0 : i32
    %dma_start3A_12 = arith.constant 0 : i32
    %dma_start3A_13 = arith.constant 0 : i32
    %dma_start3A_14 = arith.constant 0 : i32
    %dma_start3A_15 = arith.constant 0 : i32
    %dma_start3A_16 = tpu.memref_slice %arg9[%dma_start3A_13, %dma_start3A_14, %dma_start3A_15] : memref<2x128x128xf32, #tpu.memory_space<vmem>> -> memref<1x128x128xf32, #tpu.memory_space<vmem>>
    %dma_start3A_17 = tpu.memref_squeeze %dma_start3A_16 : memref<1x128x128xf32, #tpu.memory_space<vmem>> -> memref<128x128xf32, #tpu.memory_space<vmem>>
    %dma_start3A_18 = arith.constant 0 : i32
    %dma_start3A_19 = tpu.memref_slice %arg7[%dma_start3A, %dma_start3A_11, %dma_start3A_12, %dma_start3A_18] : memref<2x10x1x128xi32, #tpu.memory_space<vmem>> -> memref<1x1x1x128xi32, #tpu.memory_space<vmem>>
    %dma_start3A_20 = tpu.memref_squeeze %dma_start3A_19 : memref<1x1x1x128xi32, #tpu.memory_space<vmem>> -> memref<128xi32, #tpu.memory_space<vmem>>
    %dma_start3A_21 = arith.constant 0 : i32
    %dma_start3A_22 = arith.constant 0 : i32
    %dma_start3A_23 = tpu.memref_slice %arg2[%dma_start3A_21, %dma_start3A_22] : memref<2600000x128xf32, #tpu.memory_space<hbm>> -> memref<2600000x128xf32, #tpu.memory_space<hbm>>
    tpu.enqueue_indirect_dma source(%dma_start3A_23 : memref<2600000x128xf32, #tpu.memory_space<hbm>>) target(%dma_start3A_17 : memref<128x128xf32, #tpu.memory_space<vmem>>) offsets(%dma_start3A_20 : memref<128xi32, #tpu.memory_space<vmem>>) semaphore(%arg12 : memref<!tpu.dma_semaphore, #tpu.memory_space<semaphore_mem>>)
    %scan3A = arith.constant 0 : i32
    %scan3A_24 = arith.constant 13 : i32
    %scan3A_25 = arith.addi %scan3A, %scan3A_24 : i32
    %scan3A_26 = arith.constant 1 : i32
    scf.for %scan3A_37 = %scan3A to %scan3A_25 step %scan3A_26  : i32 {
      %mul3A_38 = arith.constant 1 : i32
      %mul3A_39 = arith.muli %scan3A_37, %mul3A_38 : i32
      %add3A_40 = arith.constant 0 : i32
      %add3A_41 = arith.addi %add3A_40, %mul3A_39 : i32
      %rem3A = arith.constant 2 : i32
      %rem3A_42 = arith.remsi %add3A_41, %rem3A : i32
      %sub3A = arith.constant 1 : i32
      %sub3A_43 = arith.subi %sub3A, %rem3A_42 : i32
      %mul3A_44 = arith.constant 64 : i32
      %mul3A_45 = arith.muli %rem3A_42, %mul3A_44 : i32
      %add3A_46 = arith.addi %mul3A_8, %mul3A_45 : i32
      %ge3A = arith.constant 2 : i32
      %ge3A_47 = arith.cmpi sge, %add3A_41, %ge3A : i32
      %convert_element_type3A = arith.extui %ge3A_47 : i1 to i32
      %cond3A = arith.constant 0 : i32
      %cond3A_48 = arith.cmpi ne, %convert_element_type3A, %cond3A : i32
      scf.if %cond3A_48 {
        %dma_wait3A_381 = arith.constant 0 : i32
        %dma_wait3A_382 = arith.constant 0 : i32
        %dma_wait3A_383 = tpu.memref_slice %arg6[%dma_wait3A_381, %dma_wait3A_382] : memref<26624x128xf32, #tpu.memory_space<hbm>> -> memref<64x128xf32, #tpu.memory_space<hbm>>
        %dma_wait3A_384 = arith.constant 0 : i32
        %dma_wait3A_385 = tpu.memref_slice %arg11[%add3A_46, %dma_wait3A_384] : memref<2048x128xf32, #tpu.memory_space<vmem_shared>> -> memref<64x128xf32, #tpu.memory_space<vmem_shared>>
        tpu.wait_dma2 semaphore(%arg13 : memref<!tpu.dma_semaphore, #tpu.memory_space<semaphore_mem>>) src(%dma_wait3A_385 : memref<64x128xf32, #tpu.memory_space<vmem_shared>>) dst(%dma_wait3A_383 : memref<64x128xf32, #tpu.memory_space<hbm>>)
      } else {
      }
      "tpu.region"() ({
        %run_scoped3A_381 = tpu.sem_alloc : memref<!tpu.dma_semaphore, #tpu.memory_space<semaphore_mem>>
        %dma_start3A_382 = arith.constant 0 : i32
        %dma_start3A_383 = arith.constant 0 : i32
        %dma_start3A_384 = tpu.memref_slice %arg10[%dma_start3A_382, %dma_start3A_383] : memref<128x128xf32, #tpu.memory_space<vmem>> -> memref<64x128xf32, #tpu.memory_space<vmem>>
        %dma_start3A_385 = arith.constant 0 : i32
        %dma_start3A_386 = tpu.memref_slice %arg11[%add3A_46, %dma_start3A_385] : memref<2048x128xf32, #tpu.memory_space<vmem_shared>> -> memref<64x128xf32, #tpu.memory_space<vmem_shared>>
        %dma_start3A_387 = arith.constant 0 : i32
        %dma_start3A_388 = tpu.memref_slice %arg11[%add3A_46, %dma_start3A_387] : memref<2048x128xf32, #tpu.memory_space<vmem_shared>> -> memref<64x128xf32, #tpu.memory_space<vmem_shared>>
        %dma_start3A_389 = arith.constant 0 : i32
        %dma_start3A_390 = arith.constant 0 : i32
        %dma_start3A_391 = tpu.memref_slice %arg10[%dma_start3A_389, %dma_start3A_390] : memref<128x128xf32, #tpu.memory_space<vmem>> -> memref<64x128xf32, #tpu.memory_space<vmem>>
        tpu.enqueue_dma source(%dma_start3A_391 : memref<64x128xf32, #tpu.memory_space<vmem>>) target(%dma_start3A_388 : memref<64x128xf32, #tpu.memory_space<vmem_shared>>) target_semaphore(%run_scoped3A_381 : memref<!tpu.dma_semaphore, #tpu.memory_space<semaphore_mem>>)
        %dma_wait3A_392 = arith.constant 0 : i32
        %dma_wait3A_393 = arith.constant 0 : i32
        %dma_wait3A_394 = tpu.memref_slice %arg10[%dma_wait3A_392, %dma_wait3A_393] : memref<128x128xf32, #tpu.memory_space<vmem>> -> memref<64x128xf32, #tpu.memory_space<vmem>>
        %dma_wait3A_395 = arith.constant 0 : i32
        %dma_wait3A_396 = tpu.memref_slice %arg11[%add3A_46, %dma_wait3A_395] : memref<2048x128xf32, #tpu.memory_space<vmem_shared>> -> memref<64x128xf32, #tpu.memory_space<vmem_shared>>
        %dma_wait3A_397 = arith.constant 0 : i32
        %dma_wait3A_398 = tpu.memref_slice %arg11[%add3A_46, %dma_wait3A_397] : memref<2048x128xf32, #tpu.memory_space<vmem_shared>> -> memref<64x128xf32, #tpu.memory_space<vmem_shared>>
        %dma_wait3A_399 = arith.constant 0 : i32
        %dma_wait3A_400 = arith.constant 0 : i32
        %dma_wait3A_401 = tpu.memref_slice %arg10[%dma_wait3A_399, %dma_wait3A_400] : memref<128x128xf32, #tpu.memory_space<vmem>> -> memref<64x128xf32, #tpu.memory_space<vmem>>
        tpu.wait_dma2 semaphore(%run_scoped3A_381 : memref<!tpu.dma_semaphore, #tpu.memory_space<semaphore_mem>>) src(%dma_wait3A_401 : memref<64x128xf32, #tpu.memory_space<vmem>>) dst(%dma_wait3A_398 : memref<64x128xf32, #tpu.memory_space<vmem_shared>>)
        tpu.yield
      }) : () -> ()
      %lt3A = arith.constant 12 : i32
      %lt3A_49 = arith.cmpi slt, %add3A_41, %lt3A : i32
      %convert_element_type3A_50 = arith.extui %lt3A_49 : i1 to i32
      %cond3A_51 = arith.constant 0 : i32
      %cond3A_52 = arith.cmpi ne, %convert_element_type3A_50, %cond3A_51 : i32
      scf.if %cond3A_52 {
        %mul3A_381 = arith.constant 130 : i32
        %mul3A_382 = arith.muli %add3A, %mul3A_381 : i32
        %add3A_383 = arith.constant 1 : i32
        %add3A_384 = arith.addi %add3A_41, %add3A_383 : i32
        %mul3A_385 = arith.constant 10 : i32
        %mul3A_386 = arith.muli %add3A_384, %mul3A_385 : i32
        %add3A_387 = arith.addi %mul3A_382, %mul3A_386 : i32
        "tpu.region"() ({
          %run_scoped3A_388 = tpu.sem_alloc : memref<!tpu.dma_semaphore, #tpu.memory_space<semaphore_mem>>
          %dma_start3A_389 = arith.constant 0 : i32
          %dma_start3A_390 = arith.constant 0 : i32
          %dma_start3A_391 = arith.constant 0 : i32
          %dma_start3A_392 = tpu.memref_slice %arg7[%sub3A_43, %dma_start3A_389, %dma_start3A_390, %dma_start3A_391] : memref<2x10x1x128xi32, #tpu.memory_space<vmem>> -> memref<1x10x1x128xi32, #tpu.memory_space<vmem>>
          %dma_start3A_393 = tpu.memref_squeeze %dma_start3A_392 : memref<1x10x1x128xi32, #tpu.memory_space<vmem>> -> memref<10x1x128xi32, #tpu.memory_space<vmem>>
          %dma_start3A_394 = arith.constant 0 : i32
          %dma_start3A_395 = arith.constant 0 : i32
          %dma_start3A_396 = tpu.memref_slice %arg3[%add3A_387, %dma_start3A_394, %dma_start3A_395] : memref<4160x1x128xi32, #tpu.memory_space<hbm>> -> memref<10x1x128xi32, #tpu.memory_space<hbm>>
          %dma_start3A_397 = arith.constant 0 : i32
          %dma_start3A_398 = arith.constant 0 : i32
          %dma_start3A_399 = arith.constant 0 : i32
          %dma_start3A_400 = tpu.memref_slice %arg7[%sub3A_43, %dma_start3A_397, %dma_start3A_398, %dma_start3A_399] : memref<2x10x1x128xi32, #tpu.memory_space<vmem>> -> memref<1x10x1x128xi32, #tpu.memory_space<vmem>>
          %dma_start3A_401 = tpu.memref_squeeze %dma_start3A_400 : memref<1x10x1x128xi32, #tpu.memory_space<vmem>> -> memref<10x1x128xi32, #tpu.memory_space<vmem>>
          %dma_start3A_402 = arith.constant 0 : i32
          %dma_start3A_403 = arith.constant 0 : i32
          %dma_start3A_404 = tpu.memref_slice %arg3[%add3A_387, %dma_start3A_402, %dma_start3A_403] : memref<4160x1x128xi32, #tpu.memory_space<hbm>> -> memref<10x1x128xi32, #tpu.memory_space<hbm>>
          tpu.enqueue_dma source(%dma_start3A_404 : memref<10x1x128xi32, #tpu.memory_space<hbm>>) target(%dma_start3A_401 : memref<10x1x128xi32, #tpu.memory_space<vmem>>) target_semaphore(%run_scoped3A_388 : memref<!tpu.dma_semaphore, #tpu.memory_space<semaphore_mem>>)
          %dma_wait3A_405 = arith.constant 0 : i32
          %dma_wait3A_406 = arith.constant 0 : i32
          %dma_wait3A_407 = arith.constant 0 : i32
          %dma_wait3A_408 = tpu.memref_slice %arg7[%sub3A_43, %dma_wait3A_405, %dma_wait3A_406, %dma_wait3A_407] : memref<2x10x1x128xi32, #tpu.memory_space<vmem>> -> memref<1x10x1x128xi32, #tpu.memory_space<vmem>>
          %dma_wait3A_409 = tpu.memref_squeeze %dma_wait3A_408 : memref<1x10x1x128xi32, #tpu.memory_space<vmem>> -> memref<10x1x128xi32, #tpu.memory_space<vmem>>
          %dma_wait3A_410 = arith.constant 0 : i32
          %dma_wait3A_411 = arith.constant 0 : i32
          %dma_wait3A_412 = tpu.memref_slice %arg3[%add3A_387, %dma_wait3A_410, %dma_wait3A_411] : memref<4160x1x128xi32, #tpu.memory_space<hbm>> -> memref<10x1x128xi32, #tpu.memory_space<hbm>>
          %dma_wait3A_413 = arith.constant 0 : i32
          %dma_wait3A_414 = arith.constant 0 : i32
          %dma_wait3A_415 = arith.constant 0 : i32
          %dma_wait3A_416 = tpu.memref_slice %arg7[%sub3A_43, %dma_wait3A_413, %dma_wait3A_414, %dma_wait3A_415] : memref<2x10x1x128xi32, #tpu.memory_space<vmem>> -> memref<1x10x1x128xi32, #tpu.memory_space<vmem>>
          %dma_wait3A_417 = tpu.memref_squeeze %dma_wait3A_416 : memref<1x10x1x128xi32, #tpu.memory_space<vmem>> -> memref<10x1x128xi32, #tpu.memory_space<vmem>>
          %dma_wait3A_418 = arith.constant 0 : i32
          %dma_wait3A_419 = arith.constant 0 : i32
          %dma_wait3A_420 = tpu.memref_slice %arg3[%add3A_387, %dma_wait3A_418, %dma_wait3A_419] : memref<4160x1x128xi32, #tpu.memory_space<hbm>> -> memref<10x1x128xi32, #tpu.memory_space<hbm>>
          tpu.wait_dma2 semaphore(%run_scoped3A_388 : memref<!tpu.dma_semaphore, #tpu.memory_space<semaphore_mem>>) src(%dma_wait3A_420 : memref<10x1x128xi32, #tpu.memory_space<hbm>>) dst(%dma_wait3A_417 : memref<10x1x128xi32, #tpu.memory_space<vmem>>)
          tpu.yield
        }) : () -> ()
      } else {
      }
      %dma_wait3A_53 = arith.constant 0 : i32
      %dma_wait3A_54 = arith.constant 0 : i32
      %dma_wait3A_55 = arith.constant 0 : i32
      %dma_wait3A_56 = arith.constant 0 : i32
      %dma_wait3A_57 = arith.constant 0 : i32
      %dma_wait3A_58 = tpu.memref_slice %arg9[%dma_wait3A_55, %dma_wait3A_56, %dma_wait3A_57] : memref<2x128x128xf32, #tpu.memory_space<vmem>> -> memref<1x128x128xf32, #tpu.memory_space<vmem>>
      %dma_wait3A_59 = tpu.memref_squeeze %dma_wait3A_58 : memref<1x128x128xf32, #tpu.memory_space<vmem>> -> memref<128x128xf32, #tpu.memory_space<vmem>>
      %dma_wait3A_60 = arith.constant 0 : i32
      %dma_wait3A_61 = tpu.memref_slice %arg7[%rem3A_42, %dma_wait3A_53, %dma_wait3A_54, %dma_wait3A_60] : memref<2x10x1x128xi32, #tpu.memory_space<vmem>> -> memref<1x1x1x128xi32, #tpu.memory_space<vmem>>
      %dma_wait3A_62 = tpu.memref_squeeze %dma_wait3A_61 : memref<1x1x1x128xi32, #tpu.memory_space<vmem>> -> memref<128xi32, #tpu.memory_space<vmem>>
      %dma_wait3A_63 = arith.constant 0 : i32
      %dma_wait3A_64 = arith.constant 0 : i32
      %dma_wait3A_65 = tpu.memref_slice %arg2[%dma_wait3A_63, %dma_wait3A_64] : memref<2600000x128xf32, #tpu.memory_space<hbm>> -> memref<2600000x128xf32, #tpu.memory_space<hbm>>
      tpu.wait_indirect_dma semaphore(%arg12 : memref<!tpu.dma_semaphore, #tpu.memory_space<semaphore_mem>>) src(%dma_wait3A_65 : memref<2600000x128xf32, #tpu.memory_space<hbm>>) dst(%dma_wait3A_59 : memref<128x128xf32, #tpu.memory_space<vmem>>)
      %dma_start3A_66 = arith.constant 1 : i32
      %dma_start3A_67 = arith.constant 0 : i32
      %dma_start3A_68 = arith.constant 1 : i32
      %dma_start3A_69 = arith.constant 0 : i32
      %dma_start3A_70 = arith.constant 0 : i32
      %dma_start3A_71 = tpu.memref_slice %arg9[%dma_start3A_68, %dma_start3A_69, %dma_start3A_70] : memref<2x128x128xf32, #tpu.memory_space<vmem>> -> memref<1x128x128xf32, #tpu.memory_space<vmem>>
      %dma_start3A_72 = tpu.memref_squeeze %dma_start3A_71 : memref<1x128x128xf32, #tpu.memory_space<vmem>> -> memref<128x128xf32, #tpu.memory_space<vmem>>
      %dma_start3A_73 = arith.constant 0 : i32
      %dma_start3A_74 = tpu.memref_slice %arg7[%rem3A_42, %dma_start3A_66, %dma_start3A_67, %dma_start3A_73] : memref<2x10x1x128xi32, #tpu.memory_space<vmem>> -> memref<1x1x1x128xi32, #tpu.memory_space<vmem>>
      %dma_start3A_75 = tpu.memref_squeeze %dma_start3A_74 : memref<1x1x1x128xi32, #tpu.memory_space<vmem>> -> memref<128xi32, #tpu.memory_space<vmem>>
      %dma_start3A_76 = arith.constant 0 : i32
      %dma_start3A_77 = arith.constant 0 : i32
      %dma_start3A_78 = tpu.memref_slice %arg2[%dma_start3A_76, %dma_start3A_77] : memref<2600000x128xf32, #tpu.memory_space<hbm>> -> memref<2600000x128xf32, #tpu.memory_space<hbm>>
      tpu.enqueue_indirect_dma source(%dma_start3A_78 : memref<2600000x128xf32, #tpu.memory_space<hbm>>) target(%dma_start3A_72 : memref<128x128xf32, #tpu.memory_space<vmem>>) offsets(%dma_start3A_75 : memref<128xi32, #tpu.memory_space<vmem>>) semaphore(%arg12 : memref<!tpu.dma_semaphore, #tpu.memory_space<semaphore_mem>>)
      %mul3A_79 = arith.constant 10 : i32
      %mul3A_80 = arith.muli %rem3A_42, %mul3A_79 : i32
      %add3A_81 = arith.constant 0 : i32
      %add3A_82 = arith.addi %mul3A_80, %add3A_81 : i32
      %run_scoped3A_83 = arith.constant 0 : i32
      %run_scoped3A_84 = arith.constant 0 : i32
      "tpu.region"() ({
        %run_scoped3A_381 = tpu.sem_alloc : memref<!tpu.dma_semaphore, #tpu.memory_space<semaphore_mem>>
        %dma_start3A_382 = arith.constant 0 : i32
        %dma_start3A_383 = arith.constant 0 : i32
        %dma_start3A_384 = tpu.memref_slice %arg9[%run_scoped3A_83, %dma_start3A_382, %dma_start3A_383] : memref<2x128x128xf32, #tpu.memory_space<vmem>> -> memref<1x128x128xf32, #tpu.memory_space<vmem>>
        %dma_start3A_385 = tpu.memref_squeeze %dma_start3A_384 : memref<1x128x128xf32, #tpu.memory_space<vmem>> -> memref<128x128xf32, #tpu.memory_space<vmem>>
        %dma_start3A_386 = arith.constant 0 : i32
        %dma_start3A_387 = tpu.memref_slice %arg8[%add3A_82, %run_scoped3A_84, %dma_start3A_386] : memref<20x1x128xi32, #tpu.memory_space<vmem>> -> memref<1x1x128xi32, #tpu.memory_space<vmem>>
        %dma_start3A_388 = tpu.memref_squeeze %dma_start3A_387 : memref<1x1x128xi32, #tpu.memory_space<vmem>> -> memref<128xi32, #tpu.memory_space<vmem>>
        %dma_start3A_389 = arith.constant 0 : i32
        %dma_start3A_390 = arith.constant 0 : i32
        %dma_start3A_391 = tpu.memref_slice %arg11[%dma_start3A_389, %dma_start3A_390] : memref<2048x128xf32, #tpu.memory_space<vmem_shared>> -> memref<2048x128xf32, #tpu.memory_space<vmem_shared>>
        tpu.enqueue_indirect_dma source(%dma_start3A_385 : memref<128x128xf32, #tpu.memory_space<vmem>>) target(%dma_start3A_391 : memref<2048x128xf32, #tpu.memory_space<vmem_shared>>) offsets(%dma_start3A_388 : memref<128xi32, #tpu.memory_space<vmem>>) semaphore(%run_scoped3A_381 : memref<!tpu.dma_semaphore, #tpu.memory_space<semaphore_mem>>) {add = true}
        %dma_wait3A_392 = arith.constant 0 : i32
        %dma_wait3A_393 = arith.constant 0 : i32
        %dma_wait3A_394 = tpu.memref_slice %arg9[%run_scoped3A_83, %dma_wait3A_392, %dma_wait3A_393] : memref<2x128x128xf32, #tpu.memory_space<vmem>> -> memref<1x128x128xf32, #tpu.memory_space<vmem>>
        %dma_wait3A_395 = tpu.memref_squeeze %dma_wait3A_394 : memref<1x128x128xf32, #tpu.memory_space<vmem>> -> memref<128x128xf32, #tpu.memory_space<vmem>>
        %dma_wait3A_396 = arith.constant 0 : i32
        %dma_wait3A_397 = tpu.memref_slice %arg8[%add3A_82, %run_scoped3A_84, %dma_wait3A_396] : memref<20x1x128xi32, #tpu.memory_space<vmem>> -> memref<1x1x128xi32, #tpu.memory_space<vmem>>
        %dma_wait3A_398 = tpu.memref_squeeze %dma_wait3A_397 : memref<1x1x128xi32, #tpu.memory_space<vmem>> -> memref<128xi32, #tpu.memory_space<vmem>>
        %dma_wait3A_399 = arith.constant 0 : i32
        %dma_wait3A_400 = arith.constant 0 : i32
        %dma_wait3A_401 = tpu.memref_slice %arg11[%dma_wait3A_399, %dma_wait3A_400] : memref<2048x128xf32, #tpu.memory_space<vmem_shared>> -> memref<2048x128xf32, #tpu.memory_space<vmem_shared>>
        tpu.wait_indirect_dma semaphore(%run_scoped3A_381 : memref<!tpu.dma_semaphore, #tpu.memory_space<semaphore_mem>>) src(%dma_wait3A_395 : memref<128x128xf32, #tpu.memory_space<vmem>>) dst(%dma_wait3A_401 : memref<2048x128xf32, #tpu.memory_space<vmem_shared>>)
        tpu.yield
      }) : () -> ()
      %dma_wait3A_85 = arith.constant 1 : i32
      %dma_wait3A_86 = arith.constant 0 : i32
      %dma_wait3A_87 = arith.constant 1 : i32
      %dma_wait3A_88 = arith.constant 0 : i32
      %dma_wait3A_89 = arith.constant 0 : i32
      %dma_wait3A_90 = tpu.memref_slice %arg9[%dma_wait3A_87, %dma_wait3A_88, %dma_wait3A_89] : memref<2x128x128xf32, #tpu.memory_space<vmem>> -> memref<1x128x128xf32, #tpu.memory_space<vmem>>
      %dma_wait3A_91 = tpu.memref_squeeze %dma_wait3A_90 : memref<1x128x128xf32, #tpu.memory_space<vmem>> -> memref<128x128xf32, #tpu.memory_space<vmem>>
      %dma_wait3A_92 = arith.constant 0 : i32
      %dma_wait3A_93 = tpu.memref_slice %arg7[%rem3A_42, %dma_wait3A_85, %dma_wait3A_86, %dma_wait3A_92] : memref<2x10x1x128xi32, #tpu.memory_space<vmem>> -> memref<1x1x1x128xi32, #tpu.memory_space<vmem>>
      %dma_wait3A_94 = tpu.memref_squeeze %dma_wait3A_93 : memref<1x1x1x128xi32, #tpu.memory_space<vmem>> -> memref<128xi32, #tpu.memory_space<vmem>>
      %dma_wait3A_95 = arith.constant 0 : i32
      %dma_wait3A_96 = arith.constant 0 : i32
      %dma_wait3A_97 = tpu.memref_slice %arg2[%dma_wait3A_95, %dma_wait3A_96] : memref<2600000x128xf32, #tpu.memory_space<hbm>> -> memref<2600000x128xf32, #tpu.memory_space<hbm>>
      tpu.wait_indirect_dma semaphore(%arg12 : memref<!tpu.dma_semaphore, #tpu.memory_space<semaphore_mem>>) src(%dma_wait3A_97 : memref<2600000x128xf32, #tpu.memory_space<hbm>>) dst(%dma_wait3A_91 : memref<128x128xf32, #tpu.memory_space<vmem>>)
      %dma_start3A_98 = arith.constant 2 : i32
      %dma_start3A_99 = arith.constant 0 : i32
      %dma_start3A_100 = arith.constant 0 : i32
      %dma_start3A_101 = arith.constant 0 : i32
      %dma_start3A_102 = arith.constant 0 : i32
      %dma_start3A_103 = tpu.memref_slice %arg9[%dma_start3A_100, %dma_start3A_101, %dma_start3A_102] : memref<2x128x128xf32, #tpu.memory_space<vmem>> -> memref<1x128x128xf32, #tpu.memory_space<vmem>>
      %dma_start3A_104 = tpu.memref_squeeze %dma_start3A_103 : memref<1x128x128xf32, #tpu.memory_space<vmem>> -> memref<128x128xf32, #tpu.memory_space<vmem>>
      %dma_start3A_105 = arith.constant 0 : i32
      %dma_start3A_106 = tpu.memref_slice %arg7[%rem3A_42, %dma_start3A_98, %dma_start3A_99, %dma_start3A_105] : memref<2x10x1x128xi32, #tpu.memory_space<vmem>> -> memref<1x1x1x128xi32, #tpu.memory_space<vmem>>
      %dma_start3A_107 = tpu.memref_squeeze %dma_start3A_106 : memref<1x1x1x128xi32, #tpu.memory_space<vmem>> -> memref<128xi32, #tpu.memory_space<vmem>>
      %dma_start3A_108 = arith.constant 0 : i32
      %dma_start3A_109 = arith.constant 0 : i32
      %dma_start3A_110 = tpu.memref_slice %arg2[%dma_start3A_108, %dma_start3A_109] : memref<2600000x128xf32, #tpu.memory_space<hbm>> -> memref<2600000x128xf32, #tpu.memory_space<hbm>>
      tpu.enqueue_indirect_dma source(%dma_start3A_110 : memref<2600000x128xf32, #tpu.memory_space<hbm>>) target(%dma_start3A_104 : memref<128x128xf32, #tpu.memory_space<vmem>>) offsets(%dma_start3A_107 : memref<128xi32, #tpu.memory_space<vmem>>) semaphore(%arg12 : memref<!tpu.dma_semaphore, #tpu.memory_space<semaphore_mem>>)
      %mul3A_111 = arith.constant 10 : i32
      %mul3A_112 = arith.muli %rem3A_42, %mul3A_111 : i32
      %add3A_113 = arith.constant 1 : i32
      %add3A_114 = arith.addi %mul3A_112, %add3A_113 : i32
      %run_scoped3A_115 = arith.constant 1 : i32
      %run_scoped3A_116 = arith.constant 0 : i32
      "tpu.region"() ({
        %run_scoped3A_381 = tpu.sem_alloc : memref<!tpu.dma_semaphore, #tpu.memory_space<semaphore_mem>>
        %dma_start3A_382 = arith.constant 0 : i32
        %dma_start3A_383 = arith.constant 0 : i32
        %dma_start3A_384 = tpu.memref_slice %arg9[%run_scoped3A_115, %dma_start3A_382, %dma_start3A_383] : memref<2x128x128xf32, #tpu.memory_space<vmem>> -> memref<1x128x128xf32, #tpu.memory_space<vmem>>
        %dma_start3A_385 = tpu.memref_squeeze %dma_start3A_384 : memref<1x128x128xf32, #tpu.memory_space<vmem>> -> memref<128x128xf32, #tpu.memory_space<vmem>>
        %dma_start3A_386 = arith.constant 0 : i32
        %dma_start3A_387 = tpu.memref_slice %arg8[%add3A_114, %run_scoped3A_116, %dma_start3A_386] : memref<20x1x128xi32, #tpu.memory_space<vmem>> -> memref<1x1x128xi32, #tpu.memory_space<vmem>>
        %dma_start3A_388 = tpu.memref_squeeze %dma_start3A_387 : memref<1x1x128xi32, #tpu.memory_space<vmem>> -> memref<128xi32, #tpu.memory_space<vmem>>
        %dma_start3A_389 = arith.constant 0 : i32
        %dma_start3A_390 = arith.constant 0 : i32
        %dma_start3A_391 = tpu.memref_slice %arg11[%dma_start3A_389, %dma_start3A_390] : memref<2048x128xf32, #tpu.memory_space<vmem_shared>> -> memref<2048x128xf32, #tpu.memory_space<vmem_shared>>
        tpu.enqueue_indirect_dma source(%dma_start3A_385 : memref<128x128xf32, #tpu.memory_space<vmem>>) target(%dma_start3A_391 : memref<2048x128xf32, #tpu.memory_space<vmem_shared>>) offsets(%dma_start3A_388 : memref<128xi32, #tpu.memory_space<vmem>>) semaphore(%run_scoped3A_381 : memref<!tpu.dma_semaphore, #tpu.memory_space<semaphore_mem>>) {add = true}
        %dma_wait3A_392 = arith.constant 0 : i32
        %dma_wait3A_393 = arith.constant 0 : i32
        %dma_wait3A_394 = tpu.memref_slice %arg9[%run_scoped3A_115, %dma_wait3A_392, %dma_wait3A_393] : memref<2x128x128xf32, #tpu.memory_space<vmem>> -> memref<1x128x128xf32, #tpu.memory_space<vmem>>
        %dma_wait3A_395 = tpu.memref_squeeze %dma_wait3A_394 : memref<1x128x128xf32, #tpu.memory_space<vmem>> -> memref<128x128xf32, #tpu.memory_space<vmem>>
        %dma_wait3A_396 = arith.constant 0 : i32
        %dma_wait3A_397 = tpu.memref_slice %arg8[%add3A_114, %run_scoped3A_116, %dma_wait3A_396] : memref<20x1x128xi32, #tpu.memory_space<vmem>> -> memref<1x1x128xi32, #tpu.memory_space<vmem>>
        %dma_wait3A_398 = tpu.memref_squeeze %dma_wait3A_397 : memref<1x1x128xi32, #tpu.memory_space<vmem>> -> memref<128xi32, #tpu.memory_space<vmem>>
        %dma_wait3A_399 = arith.constant 0 : i32
        %dma_wait3A_400 = arith.constant 0 : i32
        %dma_wait3A_401 = tpu.memref_slice %arg11[%dma_wait3A_399, %dma_wait3A_400] : memref<2048x128xf32, #tpu.memory_space<vmem_shared>> -> memref<2048x128xf32, #tpu.memory_space<vmem_shared>>
        tpu.wait_indirect_dma semaphore(%run_scoped3A_381 : memref<!tpu.dma_semaphore, #tpu.memory_space<semaphore_mem>>) src(%dma_wait3A_395 : memref<128x128xf32, #tpu.memory_space<vmem>>) dst(%dma_wait3A_401 : memref<2048x128xf32, #tpu.memory_space<vmem_shared>>)
        tpu.yield
      }) : () -> ()
      %dma_wait3A_117 = arith.constant 2 : i32
      %dma_wait3A_118 = arith.constant 0 : i32
      %dma_wait3A_119 = arith.constant 0 : i32
      %dma_wait3A_120 = arith.constant 0 : i32
      %dma_wait3A_121 = arith.constant 0 : i32
      %dma_wait3A_122 = tpu.memref_slice %arg9[%dma_wait3A_119, %dma_wait3A_120, %dma_wait3A_121] : memref<2x128x128xf32, #tpu.memory_space<vmem>> -> memref<1x128x128xf32, #tpu.memory_space<vmem>>
      %dma_wait3A_123 = tpu.memref_squeeze %dma_wait3A_122 : memref<1x128x128xf32, #tpu.memory_space<vmem>> -> memref<128x128xf32, #tpu.memory_space<vmem>>
      %dma_wait3A_124 = arith.constant 0 : i32
      %dma_wait3A_125 = tpu.memref_slice %arg7[%rem3A_42, %dma_wait3A_117, %dma_wait3A_118, %dma_wait3A_124] : memref<2x10x1x128xi32, #tpu.memory_space<vmem>> -> memref<1x1x1x128xi32, #tpu.memory_space<vmem>>
      %dma_wait3A_126 = tpu.memref_squeeze %dma_wait3A_125 : memref<1x1x1x128xi32, #tpu.memory_space<vmem>> -> memref<128xi32, #tpu.memory_space<vmem>>
      %dma_wait3A_127 = arith.constant 0 : i32
      %dma_wait3A_128 = arith.constant 0 : i32
      %dma_wait3A_129 = tpu.memref_slice %arg2[%dma_wait3A_127, %dma_wait3A_128] : memref<2600000x128xf32, #tpu.memory_space<hbm>> -> memref<2600000x128xf32, #tpu.memory_space<hbm>>
      tpu.wait_indirect_dma semaphore(%arg12 : memref<!tpu.dma_semaphore, #tpu.memory_space<semaphore_mem>>) src(%dma_wait3A_129 : memref<2600000x128xf32, #tpu.memory_space<hbm>>) dst(%dma_wait3A_123 : memref<128x128xf32, #tpu.memory_space<vmem>>)
      %dma_start3A_130 = arith.constant 3 : i32
      %dma_start3A_131 = arith.constant 0 : i32
      %dma_start3A_132 = arith.constant 1 : i32
      %dma_start3A_133 = arith.constant 0 : i32
      %dma_start3A_134 = arith.constant 0 : i32
      %dma_start3A_135 = tpu.memref_slice %arg9[%dma_start3A_132, %dma_start3A_133, %dma_start3A_134] : memref<2x128x128xf32, #tpu.memory_space<vmem>> -> memref<1x128x128xf32, #tpu.memory_space<vmem>>
      %dma_start3A_136 = tpu.memref_squeeze %dma_start3A_135 : memref<1x128x128xf32, #tpu.memory_space<vmem>> -> memref<128x128xf32, #tpu.memory_space<vmem>>
      %dma_start3A_137 = arith.constant 0 : i32
      %dma_start3A_138 = tpu.memref_slice %arg7[%rem3A_42, %dma_start3A_130, %dma_start3A_131, %dma_start3A_137] : memref<2x10x1x128xi32, #tpu.memory_space<vmem>> -> memref<1x1x1x128xi32, #tpu.memory_space<vmem>>
      %dma_start3A_139 = tpu.memref_squeeze %dma_start3A_138 : memref<1x1x1x128xi32, #tpu.memory_space<vmem>> -> memref<128xi32, #tpu.memory_space<vmem>>
      %dma_start3A_140 = arith.constant 0 : i32
      %dma_start3A_141 = arith.constant 0 : i32
      %dma_start3A_142 = tpu.memref_slice %arg2[%dma_start3A_140, %dma_start3A_141] : memref<2600000x128xf32, #tpu.memory_space<hbm>> -> memref<2600000x128xf32, #tpu.memory_space<hbm>>
      tpu.enqueue_indirect_dma source(%dma_start3A_142 : memref<2600000x128xf32, #tpu.memory_space<hbm>>) target(%dma_start3A_136 : memref<128x128xf32, #tpu.memory_space<vmem>>) offsets(%dma_start3A_139 : memref<128xi32, #tpu.memory_space<vmem>>) semaphore(%arg12 : memref<!tpu.dma_semaphore, #tpu.memory_space<semaphore_mem>>)
      %mul3A_143 = arith.constant 10 : i32
      %mul3A_144 = arith.muli %rem3A_42, %mul3A_143 : i32
      %add3A_145 = arith.constant 2 : i32
      %add3A_146 = arith.addi %mul3A_144, %add3A_145 : i32
      %run_scoped3A_147 = arith.constant 0 : i32
      %run_scoped3A_148 = arith.constant 0 : i32
      "tpu.region"() ({
        %run_scoped3A_381 = tpu.sem_alloc : memref<!tpu.dma_semaphore, #tpu.memory_space<semaphore_mem>>
        %dma_start3A_382 = arith.constant 0 : i32
        %dma_start3A_383 = arith.constant 0 : i32
        %dma_start3A_384 = tpu.memref_slice %arg9[%run_scoped3A_147, %dma_start3A_382, %dma_start3A_383] : memref<2x128x128xf32, #tpu.memory_space<vmem>> -> memref<1x128x128xf32, #tpu.memory_space<vmem>>
        %dma_start3A_385 = tpu.memref_squeeze %dma_start3A_384 : memref<1x128x128xf32, #tpu.memory_space<vmem>> -> memref<128x128xf32, #tpu.memory_space<vmem>>
        %dma_start3A_386 = arith.constant 0 : i32
        %dma_start3A_387 = tpu.memref_slice %arg8[%add3A_146, %run_scoped3A_148, %dma_start3A_386] : memref<20x1x128xi32, #tpu.memory_space<vmem>> -> memref<1x1x128xi32, #tpu.memory_space<vmem>>
        %dma_start3A_388 = tpu.memref_squeeze %dma_start3A_387 : memref<1x1x128xi32, #tpu.memory_space<vmem>> -> memref<128xi32, #tpu.memory_space<vmem>>
        %dma_start3A_389 = arith.constant 0 : i32
        %dma_start3A_390 = arith.constant 0 : i32
        %dma_start3A_391 = tpu.memref_slice %arg11[%dma_start3A_389, %dma_start3A_390] : memref<2048x128xf32, #tpu.memory_space<vmem_shared>> -> memref<2048x128xf32, #tpu.memory_space<vmem_shared>>
        tpu.enqueue_indirect_dma source(%dma_start3A_385 : memref<128x128xf32, #tpu.memory_space<vmem>>) target(%dma_start3A_391 : memref<2048x128xf32, #tpu.memory_space<vmem_shared>>) offsets(%dma_start3A_388 : memref<128xi32, #tpu.memory_space<vmem>>) semaphore(%run_scoped3A_381 : memref<!tpu.dma_semaphore, #tpu.memory_space<semaphore_mem>>) {add = true}
        %dma_wait3A_392 = arith.constant 0 : i32
        %dma_wait3A_393 = arith.constant 0 : i32
        %dma_wait3A_394 = tpu.memref_slice %arg9[%run_scoped3A_147, %dma_wait3A_392, %dma_wait3A_393] : memref<2x128x128xf32, #tpu.memory_space<vmem>> -> memref<1x128x128xf32, #tpu.memory_space<vmem>>
        %dma_wait3A_395 = tpu.memref_squeeze %dma_wait3A_394 : memref<1x128x128xf32, #tpu.memory_space<vmem>> -> memref<128x128xf32, #tpu.memory_space<vmem>>
        %dma_wait3A_396 = arith.constant 0 : i32
        %dma_wait3A_397 = tpu.memref_slice %arg8[%add3A_146, %run_scoped3A_148, %dma_wait3A_396] : memref<20x1x128xi32, #tpu.memory_space<vmem>> -> memref<1x1x128xi32, #tpu.memory_space<vmem>>
        %dma_wait3A_398 = tpu.memref_squeeze %dma_wait3A_397 : memref<1x1x128xi32, #tpu.memory_space<vmem>> -> memref<128xi32, #tpu.memory_space<vmem>>
        %dma_wait3A_399 = arith.constant 0 : i32
        %dma_wait3A_400 = arith.constant 0 : i32
        %dma_wait3A_401 = tpu.memref_slice %arg11[%dma_wait3A_399, %dma_wait3A_400] : memref<2048x128xf32, #tpu.memory_space<vmem_shared>> -> memref<2048x128xf32, #tpu.memory_space<vmem_shared>>
        tpu.wait_indirect_dma semaphore(%run_scoped3A_381 : memref<!tpu.dma_semaphore, #tpu.memory_space<semaphore_mem>>) src(%dma_wait3A_395 : memref<128x128xf32, #tpu.memory_space<vmem>>) dst(%dma_wait3A_401 : memref<2048x128xf32, #tpu.memory_space<vmem_shared>>)
        tpu.yield
      }) : () -> ()
      %dma_wait3A_149 = arith.constant 3 : i32
      %dma_wait3A_150 = arith.constant 0 : i32
      %dma_wait3A_151 = arith.constant 1 : i32
      %dma_wait3A_152 = arith.constant 0 : i32
      %dma_wait3A_153 = arith.constant 0 : i32
      %dma_wait3A_154 = tpu.memref_slice %arg9[%dma_wait3A_151, %dma_wait3A_152, %dma_wait3A_153] : memref<2x128x128xf32, #tpu.memory_space<vmem>> -> memref<1x128x128xf32, #tpu.memory_space<vmem>>
      %dma_wait3A_155 = tpu.memref_squeeze %dma_wait3A_154 : memref<1x128x128xf32, #tpu.memory_space<vmem>> -> memref<128x128xf32, #tpu.memory_space<vmem>>
      %dma_wait3A_156 = arith.constant 0 : i32
      %dma_wait3A_157 = tpu.memref_slice %arg7[%rem3A_42, %dma_wait3A_149, %dma_wait3A_150, %dma_wait3A_156] : memref<2x10x1x128xi32, #tpu.memory_space<vmem>> -> memref<1x1x1x128xi32, #tpu.memory_space<vmem>>
      %dma_wait3A_158 = tpu.memref_squeeze %dma_wait3A_157 : memref<1x1x1x128xi32, #tpu.memory_space<vmem>> -> memref<128xi32, #tpu.memory_space<vmem>>
      %dma_wait3A_159 = arith.constant 0 : i32
      %dma_wait3A_160 = arith.constant 0 : i32
      %dma_wait3A_161 = tpu.memref_slice %arg2[%dma_wait3A_159, %dma_wait3A_160] : memref<2600000x128xf32, #tpu.memory_space<hbm>> -> memref<2600000x128xf32, #tpu.memory_space<hbm>>
      tpu.wait_indirect_dma semaphore(%arg12 : memref<!tpu.dma_semaphore, #tpu.memory_space<semaphore_mem>>) src(%dma_wait3A_161 : memref<2600000x128xf32, #tpu.memory_space<hbm>>) dst(%dma_wait3A_155 : memref<128x128xf32, #tpu.memory_space<vmem>>)
      %dma_start3A_162 = arith.constant 4 : i32
      %dma_start3A_163 = arith.constant 0 : i32
      %dma_start3A_164 = arith.constant 0 : i32
      %dma_start3A_165 = arith.constant 0 : i32
      %dma_start3A_166 = arith.constant 0 : i32
      %dma_start3A_167 = tpu.memref_slice %arg9[%dma_start3A_164, %dma_start3A_165, %dma_start3A_166] : memref<2x128x128xf32, #tpu.memory_space<vmem>> -> memref<1x128x128xf32, #tpu.memory_space<vmem>>
      %dma_start3A_168 = tpu.memref_squeeze %dma_start3A_167 : memref<1x128x128xf32, #tpu.memory_space<vmem>> -> memref<128x128xf32, #tpu.memory_space<vmem>>
      %dma_start3A_169 = arith.constant 0 : i32
      %dma_start3A_170 = tpu.memref_slice %arg7[%rem3A_42, %dma_start3A_162, %dma_start3A_163, %dma_start3A_169] : memref<2x10x1x128xi32, #tpu.memory_space<vmem>> -> memref<1x1x1x128xi32, #tpu.memory_space<vmem>>
      %dma_start3A_171 = tpu.memref_squeeze %dma_start3A_170 : memref<1x1x1x128xi32, #tpu.memory_space<vmem>> -> memref<128xi32, #tpu.memory_space<vmem>>
      %dma_start3A_172 = arith.constant 0 : i32
      %dma_start3A_173 = arith.constant 0 : i32
      %dma_start3A_174 = tpu.memref_slice %arg2[%dma_start3A_172, %dma_start3A_173] : memref<2600000x128xf32, #tpu.memory_space<hbm>> -> memref<2600000x128xf32, #tpu.memory_space<hbm>>
      tpu.enqueue_indirect_dma source(%dma_start3A_174 : memref<2600000x128xf32, #tpu.memory_space<hbm>>) target(%dma_start3A_168 : memref<128x128xf32, #tpu.memory_space<vmem>>) offsets(%dma_start3A_171 : memref<128xi32, #tpu.memory_space<vmem>>) semaphore(%arg12 : memref<!tpu.dma_semaphore, #tpu.memory_space<semaphore_mem>>)
      %mul3A_175 = arith.constant 10 : i32
      %mul3A_176 = arith.muli %rem3A_42, %mul3A_175 : i32
      %add3A_177 = arith.constant 3 : i32
      %add3A_178 = arith.addi %mul3A_176, %add3A_177 : i32
      %run_scoped3A_179 = arith.constant 1 : i32
      %run_scoped3A_180 = arith.constant 0 : i32
      "tpu.region"() ({
        %run_scoped3A_381 = tpu.sem_alloc : memref<!tpu.dma_semaphore, #tpu.memory_space<semaphore_mem>>
        %dma_start3A_382 = arith.constant 0 : i32
        %dma_start3A_383 = arith.constant 0 : i32
        %dma_start3A_384 = tpu.memref_slice %arg9[%run_scoped3A_179, %dma_start3A_382, %dma_start3A_383] : memref<2x128x128xf32, #tpu.memory_space<vmem>> -> memref<1x128x128xf32, #tpu.memory_space<vmem>>
        %dma_start3A_385 = tpu.memref_squeeze %dma_start3A_384 : memref<1x128x128xf32, #tpu.memory_space<vmem>> -> memref<128x128xf32, #tpu.memory_space<vmem>>
        %dma_start3A_386 = arith.constant 0 : i32
        %dma_start3A_387 = tpu.memref_slice %arg8[%add3A_178, %run_scoped3A_180, %dma_start3A_386] : memref<20x1x128xi32, #tpu.memory_space<vmem>> -> memref<1x1x128xi32, #tpu.memory_space<vmem>>
        %dma_start3A_388 = tpu.memref_squeeze %dma_start3A_387 : memref<1x1x128xi32, #tpu.memory_space<vmem>> -> memref<128xi32, #tpu.memory_space<vmem>>
        %dma_start3A_389 = arith.constant 0 : i32
        %dma_start3A_390 = arith.constant 0 : i32
        %dma_start3A_391 = tpu.memref_slice %arg11[%dma_start3A_389, %dma_start3A_390] : memref<2048x128xf32, #tpu.memory_space<vmem_shared>> -> memref<2048x128xf32, #tpu.memory_space<vmem_shared>>
        tpu.enqueue_indirect_dma source(%dma_start3A_385 : memref<128x128xf32, #tpu.memory_space<vmem>>) target(%dma_start3A_391 : memref<2048x128xf32, #tpu.memory_space<vmem_shared>>) offsets(%dma_start3A_388 : memref<128xi32, #tpu.memory_space<vmem>>) semaphore(%run_scoped3A_381 : memref<!tpu.dma_semaphore, #tpu.memory_space<semaphore_mem>>) {add = true}
        %dma_wait3A_392 = arith.constant 0 : i32
        %dma_wait3A_393 = arith.constant 0 : i32
        %dma_wait3A_394 = tpu.memref_slice %arg9[%run_scoped3A_179, %dma_wait3A_392, %dma_wait3A_393] : memref<2x128x128xf32, #tpu.memory_space<vmem>> -> memref<1x128x128xf32, #tpu.memory_space<vmem>>
        %dma_wait3A_395 = tpu.memref_squeeze %dma_wait3A_394 : memref<1x128x128xf32, #tpu.memory_space<vmem>> -> memref<128x128xf32, #tpu.memory_space<vmem>>
        %dma_wait3A_396 = arith.constant 0 : i32
        %dma_wait3A_397 = tpu.memref_slice %arg8[%add3A_178, %run_scoped3A_180, %dma_wait3A_396] : memref<20x1x128xi32, #tpu.memory_space<vmem>> -> memref<1x1x128xi32, #tpu.memory_space<vmem>>
        %dma_wait3A_398 = tpu.memref_squeeze %dma_wait3A_397 : memref<1x1x128xi32, #tpu.memory_space<vmem>> -> memref<128xi32, #tpu.memory_space<vmem>>
        %dma_wait3A_399 = arith.constant 0 : i32
        %dma_wait3A_400 = arith.constant 0 : i32
        %dma_wait3A_401 = tpu.memref_slice %arg11[%dma_wait3A_399, %dma_wait3A_400] : memref<2048x128xf32, #tpu.memory_space<vmem_shared>> -> memref<2048x128xf32, #tpu.memory_space<vmem_shared>>
        tpu.wait_indirect_dma semaphore(%run_scoped3A_381 : memref<!tpu.dma_semaphore, #tpu.memory_space<semaphore_mem>>) src(%dma_wait3A_395 : memref<128x128xf32, #tpu.memory_space<vmem>>) dst(%dma_wait3A_401 : memref<2048x128xf32, #tpu.memory_space<vmem_shared>>)
        tpu.yield
      }) : () -> ()
      %dma_wait3A_181 = arith.constant 4 : i32
      %dma_wait3A_182 = arith.constant 0 : i32
      %dma_wait3A_183 = arith.constant 0 : i32
      %dma_wait3A_184 = arith.constant 0 : i32
      %dma_wait3A_185 = arith.constant 0 : i32
      %dma_wait3A_186 = tpu.memref_slice %arg9[%dma_wait3A_183, %dma_wait3A_184, %dma_wait3A_185] : memref<2x128x128xf32, #tpu.memory_space<vmem>> -> memref<1x128x128xf32, #tpu.memory_space<vmem>>
      %dma_wait3A_187 = tpu.memref_squeeze %dma_wait3A_186 : memref<1x128x128xf32, #tpu.memory_space<vmem>> -> memref<128x128xf32, #tpu.memory_space<vmem>>
      %dma_wait3A_188 = arith.constant 0 : i32
      %dma_wait3A_189 = tpu.memref_slice %arg7[%rem3A_42, %dma_wait3A_181, %dma_wait3A_182, %dma_wait3A_188] : memref<2x10x1x128xi32, #tpu.memory_space<vmem>> -> memref<1x1x1x128xi32, #tpu.memory_space<vmem>>
      %dma_wait3A_190 = tpu.memref_squeeze %dma_wait3A_189 : memref<1x1x1x128xi32, #tpu.memory_space<vmem>> -> memref<128xi32, #tpu.memory_space<vmem>>
      %dma_wait3A_191 = arith.constant 0 : i32
      %dma_wait3A_192 = arith.constant 0 : i32
      %dma_wait3A_193 = tpu.memref_slice %arg2[%dma_wait3A_191, %dma_wait3A_192] : memref<2600000x128xf32, #tpu.memory_space<hbm>> -> memref<2600000x128xf32, #tpu.memory_space<hbm>>
      tpu.wait_indirect_dma semaphore(%arg12 : memref<!tpu.dma_semaphore, #tpu.memory_space<semaphore_mem>>) src(%dma_wait3A_193 : memref<2600000x128xf32, #tpu.memory_space<hbm>>) dst(%dma_wait3A_187 : memref<128x128xf32, #tpu.memory_space<vmem>>)
      %dma_start3A_194 = arith.constant 5 : i32
      %dma_start3A_195 = arith.constant 0 : i32
      %dma_start3A_196 = arith.constant 1 : i32
      %dma_start3A_197 = arith.constant 0 : i32
      %dma_start3A_198 = arith.constant 0 : i32
      %dma_start3A_199 = tpu.memref_slice %arg9[%dma_start3A_196, %dma_start3A_197, %dma_start3A_198] : memref<2x128x128xf32, #tpu.memory_space<vmem>> -> memref<1x128x128xf32, #tpu.memory_space<vmem>>
      %dma_start3A_200 = tpu.memref_squeeze %dma_start3A_199 : memref<1x128x128xf32, #tpu.memory_space<vmem>> -> memref<128x128xf32, #tpu.memory_space<vmem>>
      %dma_start3A_201 = arith.constant 0 : i32
      %dma_start3A_202 = tpu.memref_slice %arg7[%rem3A_42, %dma_start3A_194, %dma_start3A_195, %dma_start3A_201] : memref<2x10x1x128xi32, #tpu.memory_space<vmem>> -> memref<1x1x1x128xi32, #tpu.memory_space<vmem>>
      %dma_start3A_203 = tpu.memref_squeeze %dma_start3A_202 : memref<1x1x1x128xi32, #tpu.memory_space<vmem>> -> memref<128xi32, #tpu.memory_space<vmem>>
      %dma_start3A_204 = arith.constant 0 : i32
      %dma_start3A_205 = arith.constant 0 : i32
      %dma_start3A_206 = tpu.memref_slice %arg2[%dma_start3A_204, %dma_start3A_205] : memref<2600000x128xf32, #tpu.memory_space<hbm>> -> memref<2600000x128xf32, #tpu.memory_space<hbm>>
      tpu.enqueue_indirect_dma source(%dma_start3A_206 : memref<2600000x128xf32, #tpu.memory_space<hbm>>) target(%dma_start3A_200 : memref<128x128xf32, #tpu.memory_space<vmem>>) offsets(%dma_start3A_203 : memref<128xi32, #tpu.memory_space<vmem>>) semaphore(%arg12 : memref<!tpu.dma_semaphore, #tpu.memory_space<semaphore_mem>>)
      %mul3A_207 = arith.constant 10 : i32
      %mul3A_208 = arith.muli %rem3A_42, %mul3A_207 : i32
      %add3A_209 = arith.constant 4 : i32
      %add3A_210 = arith.addi %mul3A_208, %add3A_209 : i32
      %run_scoped3A_211 = arith.constant 0 : i32
      %run_scoped3A_212 = arith.constant 0 : i32
      "tpu.region"() ({
        %run_scoped3A_381 = tpu.sem_alloc : memref<!tpu.dma_semaphore, #tpu.memory_space<semaphore_mem>>
        %dma_start3A_382 = arith.constant 0 : i32
        %dma_start3A_383 = arith.constant 0 : i32
        %dma_start3A_384 = tpu.memref_slice %arg9[%run_scoped3A_211, %dma_start3A_382, %dma_start3A_383] : memref<2x128x128xf32, #tpu.memory_space<vmem>> -> memref<1x128x128xf32, #tpu.memory_space<vmem>>
        %dma_start3A_385 = tpu.memref_squeeze %dma_start3A_384 : memref<1x128x128xf32, #tpu.memory_space<vmem>> -> memref<128x128xf32, #tpu.memory_space<vmem>>
        %dma_start3A_386 = arith.constant 0 : i32
        %dma_start3A_387 = tpu.memref_slice %arg8[%add3A_210, %run_scoped3A_212, %dma_start3A_386] : memref<20x1x128xi32, #tpu.memory_space<vmem>> -> memref<1x1x128xi32, #tpu.memory_space<vmem>>
        %dma_start3A_388 = tpu.memref_squeeze %dma_start3A_387 : memref<1x1x128xi32, #tpu.memory_space<vmem>> -> memref<128xi32, #tpu.memory_space<vmem>>
        %dma_start3A_389 = arith.constant 0 : i32
        %dma_start3A_390 = arith.constant 0 : i32
        %dma_start3A_391 = tpu.memref_slice %arg11[%dma_start3A_389, %dma_start3A_390] : memref<2048x128xf32, #tpu.memory_space<vmem_shared>> -> memref<2048x128xf32, #tpu.memory_space<vmem_shared>>
        tpu.enqueue_indirect_dma source(%dma_start3A_385 : memref<128x128xf32, #tpu.memory_space<vmem>>) target(%dma_start3A_391 : memref<2048x128xf32, #tpu.memory_space<vmem_shared>>) offsets(%dma_start3A_388 : memref<128xi32, #tpu.memory_space<vmem>>) semaphore(%run_scoped3A_381 : memref<!tpu.dma_semaphore, #tpu.memory_space<semaphore_mem>>) {add = true}
        %dma_wait3A_392 = arith.constant 0 : i32
        %dma_wait3A_393 = arith.constant 0 : i32
        %dma_wait3A_394 = tpu.memref_slice %arg9[%run_scoped3A_211, %dma_wait3A_392, %dma_wait3A_393] : memref<2x128x128xf32, #tpu.memory_space<vmem>> -> memref<1x128x128xf32, #tpu.memory_space<vmem>>
        %dma_wait3A_395 = tpu.memref_squeeze %dma_wait3A_394 : memref<1x128x128xf32, #tpu.memory_space<vmem>> -> memref<128x128xf32, #tpu.memory_space<vmem>>
        %dma_wait3A_396 = arith.constant 0 : i32
        %dma_wait3A_397 = tpu.memref_slice %arg8[%add3A_210, %run_scoped3A_212, %dma_wait3A_396] : memref<20x1x128xi32, #tpu.memory_space<vmem>> -> memref<1x1x128xi32, #tpu.memory_space<vmem>>
        %dma_wait3A_398 = tpu.memref_squeeze %dma_wait3A_397 : memref<1x1x128xi32, #tpu.memory_space<vmem>> -> memref<128xi32, #tpu.memory_space<vmem>>
        %dma_wait3A_399 = arith.constant 0 : i32
        %dma_wait3A_400 = arith.constant 0 : i32
        %dma_wait3A_401 = tpu.memref_slice %arg11[%dma_wait3A_399, %dma_wait3A_400] : memref<2048x128xf32, #tpu.memory_space<vmem_shared>> -> memref<2048x128xf32, #tpu.memory_space<vmem_shared>>
        tpu.wait_indirect_dma semaphore(%run_scoped3A_381 : memref<!tpu.dma_semaphore, #tpu.memory_space<semaphore_mem>>) src(%dma_wait3A_395 : memref<128x128xf32, #tpu.memory_space<vmem>>) dst(%dma_wait3A_401 : memref<2048x128xf32, #tpu.memory_space<vmem_shared>>)
        tpu.yield
      }) : () -> ()
      %dma_wait3A_213 = arith.constant 5 : i32
      %dma_wait3A_214 = arith.constant 0 : i32
      %dma_wait3A_215 = arith.constant 1 : i32
      %dma_wait3A_216 = arith.constant 0 : i32
      %dma_wait3A_217 = arith.constant 0 : i32
      %dma_wait3A_218 = tpu.memref_slice %arg9[%dma_wait3A_215, %dma_wait3A_216, %dma_wait3A_217] : memref<2x128x128xf32, #tpu.memory_space<vmem>> -> memref<1x128x128xf32, #tpu.memory_space<vmem>>
      %dma_wait3A_219 = tpu.memref_squeeze %dma_wait3A_218 : memref<1x128x128xf32, #tpu.memory_space<vmem>> -> memref<128x128xf32, #tpu.memory_space<vmem>>
      %dma_wait3A_220 = arith.constant 0 : i32
      %dma_wait3A_221 = tpu.memref_slice %arg7[%rem3A_42, %dma_wait3A_213, %dma_wait3A_214, %dma_wait3A_220] : memref<2x10x1x128xi32, #tpu.memory_space<vmem>> -> memref<1x1x1x128xi32, #tpu.memory_space<vmem>>
      %dma_wait3A_222 = tpu.memref_squeeze %dma_wait3A_221 : memref<1x1x1x128xi32, #tpu.memory_space<vmem>> -> memref<128xi32, #tpu.memory_space<vmem>>
      %dma_wait3A_223 = arith.constant 0 : i32
      %dma_wait3A_224 = arith.constant 0 : i32
      %dma_wait3A_225 = tpu.memref_slice %arg2[%dma_wait3A_223, %dma_wait3A_224] : memref<2600000x128xf32, #tpu.memory_space<hbm>> -> memref<2600000x128xf32, #tpu.memory_space<hbm>>
      tpu.wait_indirect_dma semaphore(%arg12 : memref<!tpu.dma_semaphore, #tpu.memory_space<semaphore_mem>>) src(%dma_wait3A_225 : memref<2600000x128xf32, #tpu.memory_space<hbm>>) dst(%dma_wait3A_219 : memref<128x128xf32, #tpu.memory_space<vmem>>)
      %dma_start3A_226 = arith.constant 6 : i32
      %dma_start3A_227 = arith.constant 0 : i32
      %dma_start3A_228 = arith.constant 0 : i32
      %dma_start3A_229 = arith.constant 0 : i32
      %dma_start3A_230 = arith.constant 0 : i32
      %dma_start3A_231 = tpu.memref_slice %arg9[%dma_start3A_228, %dma_start3A_229, %dma_start3A_230] : memref<2x128x128xf32, #tpu.memory_space<vmem>> -> memref<1x128x128xf32, #tpu.memory_space<vmem>>
      %dma_start3A_232 = tpu.memref_squeeze %dma_start3A_231 : memref<1x128x128xf32, #tpu.memory_space<vmem>> -> memref<128x128xf32, #tpu.memory_space<vmem>>
      %dma_start3A_233 = arith.constant 0 : i32
      %dma_start3A_234 = tpu.memref_slice %arg7[%rem3A_42, %dma_start3A_226, %dma_start3A_227, %dma_start3A_233] : memref<2x10x1x128xi32, #tpu.memory_space<vmem>> -> memref<1x1x1x128xi32, #tpu.memory_space<vmem>>
      %dma_start3A_235 = tpu.memref_squeeze %dma_start3A_234 : memref<1x1x1x128xi32, #tpu.memory_space<vmem>> -> memref<128xi32, #tpu.memory_space<vmem>>
      %dma_start3A_236 = arith.constant 0 : i32
      %dma_start3A_237 = arith.constant 0 : i32
      %dma_start3A_238 = tpu.memref_slice %arg2[%dma_start3A_236, %dma_start3A_237] : memref<2600000x128xf32, #tpu.memory_space<hbm>> -> memref<2600000x128xf32, #tpu.memory_space<hbm>>
      tpu.enqueue_indirect_dma source(%dma_start3A_238 : memref<2600000x128xf32, #tpu.memory_space<hbm>>) target(%dma_start3A_232 : memref<128x128xf32, #tpu.memory_space<vmem>>) offsets(%dma_start3A_235 : memref<128xi32, #tpu.memory_space<vmem>>) semaphore(%arg12 : memref<!tpu.dma_semaphore, #tpu.memory_space<semaphore_mem>>)
      %mul3A_239 = arith.constant 10 : i32
      %mul3A_240 = arith.muli %rem3A_42, %mul3A_239 : i32
      %add3A_241 = arith.constant 5 : i32
      %add3A_242 = arith.addi %mul3A_240, %add3A_241 : i32
      %run_scoped3A_243 = arith.constant 1 : i32
      %run_scoped3A_244 = arith.constant 0 : i32
      "tpu.region"() ({
        %run_scoped3A_381 = tpu.sem_alloc : memref<!tpu.dma_semaphore, #tpu.memory_space<semaphore_mem>>
        %dma_start3A_382 = arith.constant 0 : i32
        %dma_start3A_383 = arith.constant 0 : i32
        %dma_start3A_384 = tpu.memref_slice %arg9[%run_scoped3A_243, %dma_start3A_382, %dma_start3A_383] : memref<2x128x128xf32, #tpu.memory_space<vmem>> -> memref<1x128x128xf32, #tpu.memory_space<vmem>>
        %dma_start3A_385 = tpu.memref_squeeze %dma_start3A_384 : memref<1x128x128xf32, #tpu.memory_space<vmem>> -> memref<128x128xf32, #tpu.memory_space<vmem>>
        %dma_start3A_386 = arith.constant 0 : i32
        %dma_start3A_387 = tpu.memref_slice %arg8[%add3A_242, %run_scoped3A_244, %dma_start3A_386] : memref<20x1x128xi32, #tpu.memory_space<vmem>> -> memref<1x1x128xi32, #tpu.memory_space<vmem>>
        %dma_start3A_388 = tpu.memref_squeeze %dma_start3A_387 : memref<1x1x128xi32, #tpu.memory_space<vmem>> -> memref<128xi32, #tpu.memory_space<vmem>>
        %dma_start3A_389 = arith.constant 0 : i32
        %dma_start3A_390 = arith.constant 0 : i32
        %dma_start3A_391 = tpu.memref_slice %arg11[%dma_start3A_389, %dma_start3A_390] : memref<2048x128xf32, #tpu.memory_space<vmem_shared>> -> memref<2048x128xf32, #tpu.memory_space<vmem_shared>>
        tpu.enqueue_indirect_dma source(%dma_start3A_385 : memref<128x128xf32, #tpu.memory_space<vmem>>) target(%dma_start3A_391 : memref<2048x128xf32, #tpu.memory_space<vmem_shared>>) offsets(%dma_start3A_388 : memref<128xi32, #tpu.memory_space<vmem>>) semaphore(%run_scoped3A_381 : memref<!tpu.dma_semaphore, #tpu.memory_space<semaphore_mem>>) {add = true}
        %dma_wait3A_392 = arith.constant 0 : i32
        %dma_wait3A_393 = arith.constant 0 : i32
        %dma_wait3A_394 = tpu.memref_slice %arg9[%run_scoped3A_243, %dma_wait3A_392, %dma_wait3A_393] : memref<2x128x128xf32, #tpu.memory_space<vmem>> -> memref<1x128x128xf32, #tpu.memory_space<vmem>>
        %dma_wait3A_395 = tpu.memref_squeeze %dma_wait3A_394 : memref<1x128x128xf32, #tpu.memory_space<vmem>> -> memref<128x128xf32, #tpu.memory_space<vmem>>
        %dma_wait3A_396 = arith.constant 0 : i32
        %dma_wait3A_397 = tpu.memref_slice %arg8[%add3A_242, %run_scoped3A_244, %dma_wait3A_396] : memref<20x1x128xi32, #tpu.memory_space<vmem>> -> memref<1x1x128xi32, #tpu.memory_space<vmem>>
        %dma_wait3A_398 = tpu.memref_squeeze %dma_wait3A_397 : memref<1x1x128xi32, #tpu.memory_space<vmem>> -> memref<128xi32, #tpu.memory_space<vmem>>
        %dma_wait3A_399 = arith.constant 0 : i32
        %dma_wait3A_400 = arith.constant 0 : i32
        %dma_wait3A_401 = tpu.memref_slice %arg11[%dma_wait3A_399, %dma_wait3A_400] : memref<2048x128xf32, #tpu.memory_space<vmem_shared>> -> memref<2048x128xf32, #tpu.memory_space<vmem_shared>>
        tpu.wait_indirect_dma semaphore(%run_scoped3A_381 : memref<!tpu.dma_semaphore, #tpu.memory_space<semaphore_mem>>) src(%dma_wait3A_395 : memref<128x128xf32, #tpu.memory_space<vmem>>) dst(%dma_wait3A_401 : memref<2048x128xf32, #tpu.memory_space<vmem_shared>>)
        tpu.yield
      }) : () -> ()
      %dma_wait3A_245 = arith.constant 6 : i32
      %dma_wait3A_246 = arith.constant 0 : i32
      %dma_wait3A_247 = arith.constant 0 : i32
      %dma_wait3A_248 = arith.constant 0 : i32
      %dma_wait3A_249 = arith.constant 0 : i32
      %dma_wait3A_250 = tpu.memref_slice %arg9[%dma_wait3A_247, %dma_wait3A_248, %dma_wait3A_249] : memref<2x128x128xf32, #tpu.memory_space<vmem>> -> memref<1x128x128xf32, #tpu.memory_space<vmem>>
      %dma_wait3A_251 = tpu.memref_squeeze %dma_wait3A_250 : memref<1x128x128xf32, #tpu.memory_space<vmem>> -> memref<128x128xf32, #tpu.memory_space<vmem>>
      %dma_wait3A_252 = arith.constant 0 : i32
      %dma_wait3A_253 = tpu.memref_slice %arg7[%rem3A_42, %dma_wait3A_245, %dma_wait3A_246, %dma_wait3A_252] : memref<2x10x1x128xi32, #tpu.memory_space<vmem>> -> memref<1x1x1x128xi32, #tpu.memory_space<vmem>>
      %dma_wait3A_254 = tpu.memref_squeeze %dma_wait3A_253 : memref<1x1x1x128xi32, #tpu.memory_space<vmem>> -> memref<128xi32, #tpu.memory_space<vmem>>
      %dma_wait3A_255 = arith.constant 0 : i32
      %dma_wait3A_256 = arith.constant 0 : i32
      %dma_wait3A_257 = tpu.memref_slice %arg2[%dma_wait3A_255, %dma_wait3A_256] : memref<2600000x128xf32, #tpu.memory_space<hbm>> -> memref<2600000x128xf32, #tpu.memory_space<hbm>>
      tpu.wait_indirect_dma semaphore(%arg12 : memref<!tpu.dma_semaphore, #tpu.memory_space<semaphore_mem>>) src(%dma_wait3A_257 : memref<2600000x128xf32, #tpu.memory_space<hbm>>) dst(%dma_wait3A_251 : memref<128x128xf32, #tpu.memory_space<vmem>>)
      %dma_start3A_258 = arith.constant 7 : i32
      %dma_start3A_259 = arith.constant 0 : i32
      %dma_start3A_260 = arith.constant 1 : i32
      %dma_start3A_261 = arith.constant 0 : i32
      %dma_start3A_262 = arith.constant 0 : i32
      %dma_start3A_263 = tpu.memref_slice %arg9[%dma_start3A_260, %dma_start3A_261, %dma_start3A_262] : memref<2x128x128xf32, #tpu.memory_space<vmem>> -> memref<1x128x128xf32, #tpu.memory_space<vmem>>
      %dma_start3A_264 = tpu.memref_squeeze %dma_start3A_263 : memref<1x128x128xf32, #tpu.memory_space<vmem>> -> memref<128x128xf32, #tpu.memory_space<vmem>>
      %dma_start3A_265 = arith.constant 0 : i32
      %dma_start3A_266 = tpu.memref_slice %arg7[%rem3A_42, %dma_start3A_258, %dma_start3A_259, %dma_start3A_265] : memref<2x10x1x128xi32, #tpu.memory_space<vmem>> -> memref<1x1x1x128xi32, #tpu.memory_space<vmem>>
      %dma_start3A_267 = tpu.memref_squeeze %dma_start3A_266 : memref<1x1x1x128xi32, #tpu.memory_space<vmem>> -> memref<128xi32, #tpu.memory_space<vmem>>
      %dma_start3A_268 = arith.constant 0 : i32
      %dma_start3A_269 = arith.constant 0 : i32
      %dma_start3A_270 = tpu.memref_slice %arg2[%dma_start3A_268, %dma_start3A_269] : memref<2600000x128xf32, #tpu.memory_space<hbm>> -> memref<2600000x128xf32, #tpu.memory_space<hbm>>
      tpu.enqueue_indirect_dma source(%dma_start3A_270 : memref<2600000x128xf32, #tpu.memory_space<hbm>>) target(%dma_start3A_264 : memref<128x128xf32, #tpu.memory_space<vmem>>) offsets(%dma_start3A_267 : memref<128xi32, #tpu.memory_space<vmem>>) semaphore(%arg12 : memref<!tpu.dma_semaphore, #tpu.memory_space<semaphore_mem>>)
      %mul3A_271 = arith.constant 10 : i32
      %mul3A_272 = arith.muli %rem3A_42, %mul3A_271 : i32
      %add3A_273 = arith.constant 6 : i32
      %add3A_274 = arith.addi %mul3A_272, %add3A_273 : i32
      %run_scoped3A_275 = arith.constant 0 : i32
      %run_scoped3A_276 = arith.constant 0 : i32
      "tpu.region"() ({
        %run_scoped3A_381 = tpu.sem_alloc : memref<!tpu.dma_semaphore, #tpu.memory_space<semaphore_mem>>
        %dma_start3A_382 = arith.constant 0 : i32
        %dma_start3A_383 = arith.constant 0 : i32
        %dma_start3A_384 = tpu.memref_slice %arg9[%run_scoped3A_275, %dma_start3A_382, %dma_start3A_383] : memref<2x128x128xf32, #tpu.memory_space<vmem>> -> memref<1x128x128xf32, #tpu.memory_space<vmem>>
        %dma_start3A_385 = tpu.memref_squeeze %dma_start3A_384 : memref<1x128x128xf32, #tpu.memory_space<vmem>> -> memref<128x128xf32, #tpu.memory_space<vmem>>
        %dma_start3A_386 = arith.constant 0 : i32
        %dma_start3A_387 = tpu.memref_slice %arg8[%add3A_274, %run_scoped3A_276, %dma_start3A_386] : memref<20x1x128xi32, #tpu.memory_space<vmem>> -> memref<1x1x128xi32, #tpu.memory_space<vmem>>
        %dma_start3A_388 = tpu.memref_squeeze %dma_start3A_387 : memref<1x1x128xi32, #tpu.memory_space<vmem>> -> memref<128xi32, #tpu.memory_space<vmem>>
        %dma_start3A_389 = arith.constant 0 : i32
        %dma_start3A_390 = arith.constant 0 : i32
        %dma_start3A_391 = tpu.memref_slice %arg11[%dma_start3A_389, %dma_start3A_390] : memref<2048x128xf32, #tpu.memory_space<vmem_shared>> -> memref<2048x128xf32, #tpu.memory_space<vmem_shared>>
        tpu.enqueue_indirect_dma source(%dma_start3A_385 : memref<128x128xf32, #tpu.memory_space<vmem>>) target(%dma_start3A_391 : memref<2048x128xf32, #tpu.memory_space<vmem_shared>>) offsets(%dma_start3A_388 : memref<128xi32, #tpu.memory_space<vmem>>) semaphore(%run_scoped3A_381 : memref<!tpu.dma_semaphore, #tpu.memory_space<semaphore_mem>>) {add = true}
        %dma_wait3A_392 = arith.constant 0 : i32
        %dma_wait3A_393 = arith.constant 0 : i32
        %dma_wait3A_394 = tpu.memref_slice %arg9[%run_scoped3A_275, %dma_wait3A_392, %dma_wait3A_393] : memref<2x128x128xf32, #tpu.memory_space<vmem>> -> memref<1x128x128xf32, #tpu.memory_space<vmem>>
        %dma_wait3A_395 = tpu.memref_squeeze %dma_wait3A_394 : memref<1x128x128xf32, #tpu.memory_space<vmem>> -> memref<128x128xf32, #tpu.memory_space<vmem>>
        %dma_wait3A_396 = arith.constant 0 : i32
        %dma_wait3A_397 = tpu.memref_slice %arg8[%add3A_274, %run_scoped3A_276, %dma_wait3A_396] : memref<20x1x128xi32, #tpu.memory_space<vmem>> -> memref<1x1x128xi32, #tpu.memory_space<vmem>>
        %dma_wait3A_398 = tpu.memref_squeeze %dma_wait3A_397 : memref<1x1x128xi32, #tpu.memory_space<vmem>> -> memref<128xi32, #tpu.memory_space<vmem>>
        %dma_wait3A_399 = arith.constant 0 : i32
        %dma_wait3A_400 = arith.constant 0 : i32
        %dma_wait3A_401 = tpu.memref_slice %arg11[%dma_wait3A_399, %dma_wait3A_400] : memref<2048x128xf32, #tpu.memory_space<vmem_shared>> -> memref<2048x128xf32, #tpu.memory_space<vmem_shared>>
        tpu.wait_indirect_dma semaphore(%run_scoped3A_381 : memref<!tpu.dma_semaphore, #tpu.memory_space<semaphore_mem>>) src(%dma_wait3A_395 : memref<128x128xf32, #tpu.memory_space<vmem>>) dst(%dma_wait3A_401 : memref<2048x128xf32, #tpu.memory_space<vmem_shared>>)
        tpu.yield
      }) : () -> ()
      %dma_wait3A_277 = arith.constant 7 : i32
      %dma_wait3A_278 = arith.constant 0 : i32
      %dma_wait3A_279 = arith.constant 1 : i32
      %dma_wait3A_280 = arith.constant 0 : i32
      %dma_wait3A_281 = arith.constant 0 : i32
      %dma_wait3A_282 = tpu.memref_slice %arg9[%dma_wait3A_279, %dma_wait3A_280, %dma_wait3A_281] : memref<2x128x128xf32, #tpu.memory_space<vmem>> -> memref<1x128x128xf32, #tpu.memory_space<vmem>>
      %dma_wait3A_283 = tpu.memref_squeeze %dma_wait3A_282 : memref<1x128x128xf32, #tpu.memory_space<vmem>> -> memref<128x128xf32, #tpu.memory_space<vmem>>
      %dma_wait3A_284 = arith.constant 0 : i32
      %dma_wait3A_285 = tpu.memref_slice %arg7[%rem3A_42, %dma_wait3A_277, %dma_wait3A_278, %dma_wait3A_284] : memref<2x10x1x128xi32, #tpu.memory_space<vmem>> -> memref<1x1x1x128xi32, #tpu.memory_space<vmem>>
      %dma_wait3A_286 = tpu.memref_squeeze %dma_wait3A_285 : memref<1x1x1x128xi32, #tpu.memory_space<vmem>> -> memref<128xi32, #tpu.memory_space<vmem>>
      %dma_wait3A_287 = arith.constant 0 : i32
      %dma_wait3A_288 = arith.constant 0 : i32
      %dma_wait3A_289 = tpu.memref_slice %arg2[%dma_wait3A_287, %dma_wait3A_288] : memref<2600000x128xf32, #tpu.memory_space<hbm>> -> memref<2600000x128xf32, #tpu.memory_space<hbm>>
      tpu.wait_indirect_dma semaphore(%arg12 : memref<!tpu.dma_semaphore, #tpu.memory_space<semaphore_mem>>) src(%dma_wait3A_289 : memref<2600000x128xf32, #tpu.memory_space<hbm>>) dst(%dma_wait3A_283 : memref<128x128xf32, #tpu.memory_space<vmem>>)
      %dma_start3A_290 = arith.constant 8 : i32
      %dma_start3A_291 = arith.constant 0 : i32
      %dma_start3A_292 = arith.constant 0 : i32
      %dma_start3A_293 = arith.constant 0 : i32
      %dma_start3A_294 = arith.constant 0 : i32
      %dma_start3A_295 = tpu.memref_slice %arg9[%dma_start3A_292, %dma_start3A_293, %dma_start3A_294] : memref<2x128x128xf32, #tpu.memory_space<vmem>> -> memref<1x128x128xf32, #tpu.memory_space<vmem>>
      %dma_start3A_296 = tpu.memref_squeeze %dma_start3A_295 : memref<1x128x128xf32, #tpu.memory_space<vmem>> -> memref<128x128xf32, #tpu.memory_space<vmem>>
      %dma_start3A_297 = arith.constant 0 : i32
      %dma_start3A_298 = tpu.memref_slice %arg7[%rem3A_42, %dma_start3A_290, %dma_start3A_291, %dma_start3A_297] : memref<2x10x1x128xi32, #tpu.memory_space<vmem>> -> memref<1x1x1x128xi32, #tpu.memory_space<vmem>>
      %dma_start3A_299 = tpu.memref_squeeze %dma_start3A_298 : memref<1x1x1x128xi32, #tpu.memory_space<vmem>> -> memref<128xi32, #tpu.memory_space<vmem>>
      %dma_start3A_300 = arith.constant 0 : i32
      %dma_start3A_301 = arith.constant 0 : i32
      %dma_start3A_302 = tpu.memref_slice %arg2[%dma_start3A_300, %dma_start3A_301] : memref<2600000x128xf32, #tpu.memory_space<hbm>> -> memref<2600000x128xf32, #tpu.memory_space<hbm>>
      tpu.enqueue_indirect_dma source(%dma_start3A_302 : memref<2600000x128xf32, #tpu.memory_space<hbm>>) target(%dma_start3A_296 : memref<128x128xf32, #tpu.memory_space<vmem>>) offsets(%dma_start3A_299 : memref<128xi32, #tpu.memory_space<vmem>>) semaphore(%arg12 : memref<!tpu.dma_semaphore, #tpu.memory_space<semaphore_mem>>)
      %mul3A_303 = arith.constant 10 : i32
      %mul3A_304 = arith.muli %rem3A_42, %mul3A_303 : i32
      %add3A_305 = arith.constant 7 : i32
      %add3A_306 = arith.addi %mul3A_304, %add3A_305 : i32
      %run_scoped3A_307 = arith.constant 1 : i32
      %run_scoped3A_308 = arith.constant 0 : i32
      "tpu.region"() ({
        %run_scoped3A_381 = tpu.sem_alloc : memref<!tpu.dma_semaphore, #tpu.memory_space<semaphore_mem>>
        %dma_start3A_382 = arith.constant 0 : i32
        %dma_start3A_383 = arith.constant 0 : i32
        %dma_start3A_384 = tpu.memref_slice %arg9[%run_scoped3A_307, %dma_start3A_382, %dma_start3A_383] : memref<2x128x128xf32, #tpu.memory_space<vmem>> -> memref<1x128x128xf32, #tpu.memory_space<vmem>>
        %dma_start3A_385 = tpu.memref_squeeze %dma_start3A_384 : memref<1x128x128xf32, #tpu.memory_space<vmem>> -> memref<128x128xf32, #tpu.memory_space<vmem>>
        %dma_start3A_386 = arith.constant 0 : i32
        %dma_start3A_387 = tpu.memref_slice %arg8[%add3A_306, %run_scoped3A_308, %dma_start3A_386] : memref<20x1x128xi32, #tpu.memory_space<vmem>> -> memref<1x1x128xi32, #tpu.memory_space<vmem>>
        %dma_start3A_388 = tpu.memref_squeeze %dma_start3A_387 : memref<1x1x128xi32, #tpu.memory_space<vmem>> -> memref<128xi32, #tpu.memory_space<vmem>>
        %dma_start3A_389 = arith.constant 0 : i32
        %dma_start3A_390 = arith.constant 0 : i32
        %dma_start3A_391 = tpu.memref_slice %arg11[%dma_start3A_389, %dma_start3A_390] : memref<2048x128xf32, #tpu.memory_space<vmem_shared>> -> memref<2048x128xf32, #tpu.memory_space<vmem_shared>>
        tpu.enqueue_indirect_dma source(%dma_start3A_385 : memref<128x128xf32, #tpu.memory_space<vmem>>) target(%dma_start3A_391 : memref<2048x128xf32, #tpu.memory_space<vmem_shared>>) offsets(%dma_start3A_388 : memref<128xi32, #tpu.memory_space<vmem>>) semaphore(%run_scoped3A_381 : memref<!tpu.dma_semaphore, #tpu.memory_space<semaphore_mem>>) {add = true}
        %dma_wait3A_392 = arith.constant 0 : i32
        %dma_wait3A_393 = arith.constant 0 : i32
        %dma_wait3A_394 = tpu.memref_slice %arg9[%run_scoped3A_307, %dma_wait3A_392, %dma_wait3A_393] : memref<2x128x128xf32, #tpu.memory_space<vmem>> -> memref<1x128x128xf32, #tpu.memory_space<vmem>>
        %dma_wait3A_395 = tpu.memref_squeeze %dma_wait3A_394 : memref<1x128x128xf32, #tpu.memory_space<vmem>> -> memref<128x128xf32, #tpu.memory_space<vmem>>
        %dma_wait3A_396 = arith.constant 0 : i32
        %dma_wait3A_397 = tpu.memref_slice %arg8[%add3A_306, %run_scoped3A_308, %dma_wait3A_396] : memref<20x1x128xi32, #tpu.memory_space<vmem>> -> memref<1x1x128xi32, #tpu.memory_space<vmem>>
        %dma_wait3A_398 = tpu.memref_squeeze %dma_wait3A_397 : memref<1x1x128xi32, #tpu.memory_space<vmem>> -> memref<128xi32, #tpu.memory_space<vmem>>
        %dma_wait3A_399 = arith.constant 0 : i32
        %dma_wait3A_400 = arith.constant 0 : i32
        %dma_wait3A_401 = tpu.memref_slice %arg11[%dma_wait3A_399, %dma_wait3A_400] : memref<2048x128xf32, #tpu.memory_space<vmem_shared>> -> memref<2048x128xf32, #tpu.memory_space<vmem_shared>>
        tpu.wait_indirect_dma semaphore(%run_scoped3A_381 : memref<!tpu.dma_semaphore, #tpu.memory_space<semaphore_mem>>) src(%dma_wait3A_395 : memref<128x128xf32, #tpu.memory_space<vmem>>) dst(%dma_wait3A_401 : memref<2048x128xf32, #tpu.memory_space<vmem_shared>>)
        tpu.yield
      }) : () -> ()
      %dma_wait3A_309 = arith.constant 8 : i32
      %dma_wait3A_310 = arith.constant 0 : i32
      %dma_wait3A_311 = arith.constant 0 : i32
      %dma_wait3A_312 = arith.constant 0 : i32
      %dma_wait3A_313 = arith.constant 0 : i32
      %dma_wait3A_314 = tpu.memref_slice %arg9[%dma_wait3A_311, %dma_wait3A_312, %dma_wait3A_313] : memref<2x128x128xf32, #tpu.memory_space<vmem>> -> memref<1x128x128xf32, #tpu.memory_space<vmem>>
      %dma_wait3A_315 = tpu.memref_squeeze %dma_wait3A_314 : memref<1x128x128xf32, #tpu.memory_space<vmem>> -> memref<128x128xf32, #tpu.memory_space<vmem>>
      %dma_wait3A_316 = arith.constant 0 : i32
      %dma_wait3A_317 = tpu.memref_slice %arg7[%rem3A_42, %dma_wait3A_309, %dma_wait3A_310, %dma_wait3A_316] : memref<2x10x1x128xi32, #tpu.memory_space<vmem>> -> memref<1x1x1x128xi32, #tpu.memory_space<vmem>>
      %dma_wait3A_318 = tpu.memref_squeeze %dma_wait3A_317 : memref<1x1x1x128xi32, #tpu.memory_space<vmem>> -> memref<128xi32, #tpu.memory_space<vmem>>
      %dma_wait3A_319 = arith.constant 0 : i32
      %dma_wait3A_320 = arith.constant 0 : i32
      %dma_wait3A_321 = tpu.memref_slice %arg2[%dma_wait3A_319, %dma_wait3A_320] : memref<2600000x128xf32, #tpu.memory_space<hbm>> -> memref<2600000x128xf32, #tpu.memory_space<hbm>>
      tpu.wait_indirect_dma semaphore(%arg12 : memref<!tpu.dma_semaphore, #tpu.memory_space<semaphore_mem>>) src(%dma_wait3A_321 : memref<2600000x128xf32, #tpu.memory_space<hbm>>) dst(%dma_wait3A_315 : memref<128x128xf32, #tpu.memory_space<vmem>>)
      %dma_start3A_322 = arith.constant 9 : i32
      %dma_start3A_323 = arith.constant 0 : i32
      %dma_start3A_324 = arith.constant 1 : i32
      %dma_start3A_325 = arith.constant 0 : i32
      %dma_start3A_326 = arith.constant 0 : i32
      %dma_start3A_327 = tpu.memref_slice %arg9[%dma_start3A_324, %dma_start3A_325, %dma_start3A_326] : memref<2x128x128xf32, #tpu.memory_space<vmem>> -> memref<1x128x128xf32, #tpu.memory_space<vmem>>
      %dma_start3A_328 = tpu.memref_squeeze %dma_start3A_327 : memref<1x128x128xf32, #tpu.memory_space<vmem>> -> memref<128x128xf32, #tpu.memory_space<vmem>>
      %dma_start3A_329 = arith.constant 0 : i32
      %dma_start3A_330 = tpu.memref_slice %arg7[%rem3A_42, %dma_start3A_322, %dma_start3A_323, %dma_start3A_329] : memref<2x10x1x128xi32, #tpu.memory_space<vmem>> -> memref<1x1x1x128xi32, #tpu.memory_space<vmem>>
      %dma_start3A_331 = tpu.memref_squeeze %dma_start3A_330 : memref<1x1x1x128xi32, #tpu.memory_space<vmem>> -> memref<128xi32, #tpu.memory_space<vmem>>
      %dma_start3A_332 = arith.constant 0 : i32
      %dma_start3A_333 = arith.constant 0 : i32
      %dma_start3A_334 = tpu.memref_slice %arg2[%dma_start3A_332, %dma_start3A_333] : memref<2600000x128xf32, #tpu.memory_space<hbm>> -> memref<2600000x128xf32, #tpu.memory_space<hbm>>
      tpu.enqueue_indirect_dma source(%dma_start3A_334 : memref<2600000x128xf32, #tpu.memory_space<hbm>>) target(%dma_start3A_328 : memref<128x128xf32, #tpu.memory_space<vmem>>) offsets(%dma_start3A_331 : memref<128xi32, #tpu.memory_space<vmem>>) semaphore(%arg12 : memref<!tpu.dma_semaphore, #tpu.memory_space<semaphore_mem>>)
      %mul3A_335 = arith.constant 10 : i32
      %mul3A_336 = arith.muli %rem3A_42, %mul3A_335 : i32
      %add3A_337 = arith.constant 8 : i32
      %add3A_338 = arith.addi %mul3A_336, %add3A_337 : i32
      %run_scoped3A_339 = arith.constant 0 : i32
      %run_scoped3A_340 = arith.constant 0 : i32
      "tpu.region"() ({
        %run_scoped3A_381 = tpu.sem_alloc : memref<!tpu.dma_semaphore, #tpu.memory_space<semaphore_mem>>
        %dma_start3A_382 = arith.constant 0 : i32
        %dma_start3A_383 = arith.constant 0 : i32
        %dma_start3A_384 = tpu.memref_slice %arg9[%run_scoped3A_339, %dma_start3A_382, %dma_start3A_383] : memref<2x128x128xf32, #tpu.memory_space<vmem>> -> memref<1x128x128xf32, #tpu.memory_space<vmem>>
        %dma_start3A_385 = tpu.memref_squeeze %dma_start3A_384 : memref<1x128x128xf32, #tpu.memory_space<vmem>> -> memref<128x128xf32, #tpu.memory_space<vmem>>
        %dma_start3A_386 = arith.constant 0 : i32
        %dma_start3A_387 = tpu.memref_slice %arg8[%add3A_338, %run_scoped3A_340, %dma_start3A_386] : memref<20x1x128xi32, #tpu.memory_space<vmem>> -> memref<1x1x128xi32, #tpu.memory_space<vmem>>
        %dma_start3A_388 = tpu.memref_squeeze %dma_start3A_387 : memref<1x1x128xi32, #tpu.memory_space<vmem>> -> memref<128xi32, #tpu.memory_space<vmem>>
        %dma_start3A_389 = arith.constant 0 : i32
        %dma_start3A_390 = arith.constant 0 : i32
        %dma_start3A_391 = tpu.memref_slice %arg11[%dma_start3A_389, %dma_start3A_390] : memref<2048x128xf32, #tpu.memory_space<vmem_shared>> -> memref<2048x128xf32, #tpu.memory_space<vmem_shared>>
        tpu.enqueue_indirect_dma source(%dma_start3A_385 : memref<128x128xf32, #tpu.memory_space<vmem>>) target(%dma_start3A_391 : memref<2048x128xf32, #tpu.memory_space<vmem_shared>>) offsets(%dma_start3A_388 : memref<128xi32, #tpu.memory_space<vmem>>) semaphore(%run_scoped3A_381 : memref<!tpu.dma_semaphore, #tpu.memory_space<semaphore_mem>>) {add = true}
        %dma_wait3A_392 = arith.constant 0 : i32
        %dma_wait3A_393 = arith.constant 0 : i32
        %dma_wait3A_394 = tpu.memref_slice %arg9[%run_scoped3A_339, %dma_wait3A_392, %dma_wait3A_393] : memref<2x128x128xf32, #tpu.memory_space<vmem>> -> memref<1x128x128xf32, #tpu.memory_space<vmem>>
        %dma_wait3A_395 = tpu.memref_squeeze %dma_wait3A_394 : memref<1x128x128xf32, #tpu.memory_space<vmem>> -> memref<128x128xf32, #tpu.memory_space<vmem>>
        %dma_wait3A_396 = arith.constant 0 : i32
        %dma_wait3A_397 = tpu.memref_slice %arg8[%add3A_338, %run_scoped3A_340, %dma_wait3A_396] : memref<20x1x128xi32, #tpu.memory_space<vmem>> -> memref<1x1x128xi32, #tpu.memory_space<vmem>>
        %dma_wait3A_398 = tpu.memref_squeeze %dma_wait3A_397 : memref<1x1x128xi32, #tpu.memory_space<vmem>> -> memref<128xi32, #tpu.memory_space<vmem>>
        %dma_wait3A_399 = arith.constant 0 : i32
        %dma_wait3A_400 = arith.constant 0 : i32
        %dma_wait3A_401 = tpu.memref_slice %arg11[%dma_wait3A_399, %dma_wait3A_400] : memref<2048x128xf32, #tpu.memory_space<vmem_shared>> -> memref<2048x128xf32, #tpu.memory_space<vmem_shared>>
        tpu.wait_indirect_dma semaphore(%run_scoped3A_381 : memref<!tpu.dma_semaphore, #tpu.memory_space<semaphore_mem>>) src(%dma_wait3A_395 : memref<128x128xf32, #tpu.memory_space<vmem>>) dst(%dma_wait3A_401 : memref<2048x128xf32, #tpu.memory_space<vmem_shared>>)
        tpu.yield
      }) : () -> ()
      %dma_wait3A_341 = arith.constant 9 : i32
      %dma_wait3A_342 = arith.constant 0 : i32
      %dma_wait3A_343 = arith.constant 1 : i32
      %dma_wait3A_344 = arith.constant 0 : i32
      %dma_wait3A_345 = arith.constant 0 : i32
      %dma_wait3A_346 = tpu.memref_slice %arg9[%dma_wait3A_343, %dma_wait3A_344, %dma_wait3A_345] : memref<2x128x128xf32, #tpu.memory_space<vmem>> -> memref<1x128x128xf32, #tpu.memory_space<vmem>>
      %dma_wait3A_347 = tpu.memref_squeeze %dma_wait3A_346 : memref<1x128x128xf32, #tpu.memory_space<vmem>> -> memref<128x128xf32, #tpu.memory_space<vmem>>
      %dma_wait3A_348 = arith.constant 0 : i32
      %dma_wait3A_349 = tpu.memref_slice %arg7[%rem3A_42, %dma_wait3A_341, %dma_wait3A_342, %dma_wait3A_348] : memref<2x10x1x128xi32, #tpu.memory_space<vmem>> -> memref<1x1x1x128xi32, #tpu.memory_space<vmem>>
      %dma_wait3A_350 = tpu.memref_squeeze %dma_wait3A_349 : memref<1x1x1x128xi32, #tpu.memory_space<vmem>> -> memref<128xi32, #tpu.memory_space<vmem>>
      %dma_wait3A_351 = arith.constant 0 : i32
      %dma_wait3A_352 = arith.constant 0 : i32
      %dma_wait3A_353 = tpu.memref_slice %arg2[%dma_wait3A_351, %dma_wait3A_352] : memref<2600000x128xf32, #tpu.memory_space<hbm>> -> memref<2600000x128xf32, #tpu.memory_space<hbm>>
      tpu.wait_indirect_dma semaphore(%arg12 : memref<!tpu.dma_semaphore, #tpu.memory_space<semaphore_mem>>) src(%dma_wait3A_353 : memref<2600000x128xf32, #tpu.memory_space<hbm>>) dst(%dma_wait3A_347 : memref<128x128xf32, #tpu.memory_space<vmem>>)
      %lt3A_354 = arith.constant 12 : i32
      %lt3A_355 = arith.cmpi slt, %add3A_41, %lt3A_354 : i32
      %convert_element_type3A_356 = arith.extui %lt3A_355 : i1 to i32
      %cond3A_357 = arith.constant 0 : i32
      %cond3A_358 = arith.cmpi ne, %convert_element_type3A_356, %cond3A_357 : i32
      scf.if %cond3A_358 {
        %dma_start3A_381 = arith.constant 0 : i32
        %dma_start3A_382 = arith.constant 0 : i32
        %dma_start3A_383 = arith.constant 0 : i32
        %dma_start3A_384 = arith.constant 0 : i32
        %dma_start3A_385 = arith.constant 0 : i32
        %dma_start3A_386 = tpu.memref_slice %arg9[%dma_start3A_383, %dma_start3A_384, %dma_start3A_385] : memref<2x128x128xf32, #tpu.memory_space<vmem>> -> memref<1x128x128xf32, #tpu.memory_space<vmem>>
        %dma_start3A_387 = tpu.memref_squeeze %dma_start3A_386 : memref<1x128x128xf32, #tpu.memory_space<vmem>> -> memref<128x128xf32, #tpu.memory_space<vmem>>
        %dma_start3A_388 = arith.constant 0 : i32
        %dma_start3A_389 = tpu.memref_slice %arg7[%sub3A_43, %dma_start3A_381, %dma_start3A_382, %dma_start3A_388] : memref<2x10x1x128xi32, #tpu.memory_space<vmem>> -> memref<1x1x1x128xi32, #tpu.memory_space<vmem>>
        %dma_start3A_390 = tpu.memref_squeeze %dma_start3A_389 : memref<1x1x1x128xi32, #tpu.memory_space<vmem>> -> memref<128xi32, #tpu.memory_space<vmem>>
        %dma_start3A_391 = arith.constant 0 : i32
        %dma_start3A_392 = arith.constant 0 : i32
        %dma_start3A_393 = tpu.memref_slice %arg2[%dma_start3A_391, %dma_start3A_392] : memref<2600000x128xf32, #tpu.memory_space<hbm>> -> memref<2600000x128xf32, #tpu.memory_space<hbm>>
        tpu.enqueue_indirect_dma source(%dma_start3A_393 : memref<2600000x128xf32, #tpu.memory_space<hbm>>) target(%dma_start3A_387 : memref<128x128xf32, #tpu.memory_space<vmem>>) offsets(%dma_start3A_390 : memref<128xi32, #tpu.memory_space<vmem>>) semaphore(%arg12 : memref<!tpu.dma_semaphore, #tpu.memory_space<semaphore_mem>>)
      } else {
      }
      %mul3A_359 = arith.constant 10 : i32
      %mul3A_360 = arith.muli %rem3A_42, %mul3A_359 : i32
      %add3A_361 = arith.constant 9 : i32
      %add3A_362 = arith.addi %mul3A_360, %add3A_361 : i32
      %run_scoped3A_363 = arith.constant 1 : i32
      %run_scoped3A_364 = arith.constant 0 : i32
      "tpu.region"() ({
        %run_scoped3A_381 = tpu.sem_alloc : memref<!tpu.dma_semaphore, #tpu.memory_space<semaphore_mem>>
        %dma_start3A_382 = arith.constant 0 : i32
        %dma_start3A_383 = arith.constant 0 : i32
        %dma_start3A_384 = tpu.memref_slice %arg9[%run_scoped3A_363, %dma_start3A_382, %dma_start3A_383] : memref<2x128x128xf32, #tpu.memory_space<vmem>> -> memref<1x128x128xf32, #tpu.memory_space<vmem>>
        %dma_start3A_385 = tpu.memref_squeeze %dma_start3A_384 : memref<1x128x128xf32, #tpu.memory_space<vmem>> -> memref<128x128xf32, #tpu.memory_space<vmem>>
        %dma_start3A_386 = arith.constant 0 : i32
        %dma_start3A_387 = tpu.memref_slice %arg8[%add3A_362, %run_scoped3A_364, %dma_start3A_386] : memref<20x1x128xi32, #tpu.memory_space<vmem>> -> memref<1x1x128xi32, #tpu.memory_space<vmem>>
        %dma_start3A_388 = tpu.memref_squeeze %dma_start3A_387 : memref<1x1x128xi32, #tpu.memory_space<vmem>> -> memref<128xi32, #tpu.memory_space<vmem>>
        %dma_start3A_389 = arith.constant 0 : i32
        %dma_start3A_390 = arith.constant 0 : i32
        %dma_start3A_391 = tpu.memref_slice %arg11[%dma_start3A_389, %dma_start3A_390] : memref<2048x128xf32, #tpu.memory_space<vmem_shared>> -> memref<2048x128xf32, #tpu.memory_space<vmem_shared>>
        tpu.enqueue_indirect_dma source(%dma_start3A_385 : memref<128x128xf32, #tpu.memory_space<vmem>>) target(%dma_start3A_391 : memref<2048x128xf32, #tpu.memory_space<vmem_shared>>) offsets(%dma_start3A_388 : memref<128xi32, #tpu.memory_space<vmem>>) semaphore(%run_scoped3A_381 : memref<!tpu.dma_semaphore, #tpu.memory_space<semaphore_mem>>) {add = true}
        %dma_wait3A_392 = arith.constant 0 : i32
        %dma_wait3A_393 = arith.constant 0 : i32
        %dma_wait3A_394 = tpu.memref_slice %arg9[%run_scoped3A_363, %dma_wait3A_392, %dma_wait3A_393] : memref<2x128x128xf32, #tpu.memory_space<vmem>> -> memref<1x128x128xf32, #tpu.memory_space<vmem>>
        %dma_wait3A_395 = tpu.memref_squeeze %dma_wait3A_394 : memref<1x128x128xf32, #tpu.memory_space<vmem>> -> memref<128x128xf32, #tpu.memory_space<vmem>>
        %dma_wait3A_396 = arith.constant 0 : i32
        %dma_wait3A_397 = tpu.memref_slice %arg8[%add3A_362, %run_scoped3A_364, %dma_wait3A_396] : memref<20x1x128xi32, #tpu.memory_space<vmem>> -> memref<1x1x128xi32, #tpu.memory_space<vmem>>
        %dma_wait3A_398 = tpu.memref_squeeze %dma_wait3A_397 : memref<1x1x128xi32, #tpu.memory_space<vmem>> -> memref<128xi32, #tpu.memory_space<vmem>>
        %dma_wait3A_399 = arith.constant 0 : i32
        %dma_wait3A_400 = arith.constant 0 : i32
        %dma_wait3A_401 = tpu.memref_slice %arg11[%dma_wait3A_399, %dma_wait3A_400] : memref<2048x128xf32, #tpu.memory_space<vmem_shared>> -> memref<2048x128xf32, #tpu.memory_space<vmem_shared>>
        tpu.wait_indirect_dma semaphore(%run_scoped3A_381 : memref<!tpu.dma_semaphore, #tpu.memory_space<semaphore_mem>>) src(%dma_wait3A_395 : memref<128x128xf32, #tpu.memory_space<vmem>>) dst(%dma_wait3A_401 : memref<2048x128xf32, #tpu.memory_space<vmem_shared>>)
        tpu.yield
      }) : () -> ()
      %add3A_365 = arith.constant 1 : i32
      %add3A_366 = arith.addi %rem3A_42, %add3A_365 : i32
      %mul3A_367 = arith.constant 10 : i32
      %mul3A_368 = arith.muli %add3A_366, %mul3A_367 : i32
      %sub3A_369 = arith.constant 1 : i32
      %sub3A_370 = arith.subi %mul3A_368, %sub3A_369 : i32
      %run_scoped3A_371 = arith.constant 0 : i32
      "tpu.region"() ({
        %run_scoped3A_381 = tpu.sem_alloc : memref<!tpu.dma_semaphore, #tpu.memory_space<semaphore_mem>>
        %dma_start3A_382 = arith.constant 0 : i32
        %dma_start3A_383 = tpu.memref_slice %arg8[%sub3A_370, %run_scoped3A_371, %dma_start3A_382] : memref<20x1x128xi32, #tpu.memory_space<vmem>> -> memref<1x1x128xi32, #tpu.memory_space<vmem>>
        %dma_start3A_384 = tpu.memref_squeeze %dma_start3A_383 : memref<1x1x128xi32, #tpu.memory_space<vmem>> -> memref<128xi32, #tpu.memory_space<vmem>>
        %dma_start3A_385 = arith.constant 0 : i32
        %dma_start3A_386 = arith.constant 0 : i32
        %dma_start3A_387 = tpu.memref_slice %arg11[%dma_start3A_385, %dma_start3A_386] : memref<2048x128xf32, #tpu.memory_space<vmem_shared>> -> memref<2048x128xf32, #tpu.memory_space<vmem_shared>>
        tpu.enqueue_indirect_dma source(%arg10 : memref<128x128xf32, #tpu.memory_space<vmem>>) target(%dma_start3A_387 : memref<2048x128xf32, #tpu.memory_space<vmem_shared>>) offsets(%dma_start3A_384 : memref<128xi32, #tpu.memory_space<vmem>>) semaphore(%run_scoped3A_381 : memref<!tpu.dma_semaphore, #tpu.memory_space<semaphore_mem>>) {add = true}
        %dma_wait3A_388 = arith.constant 0 : i32
        %dma_wait3A_389 = tpu.memref_slice %arg8[%sub3A_370, %run_scoped3A_371, %dma_wait3A_388] : memref<20x1x128xi32, #tpu.memory_space<vmem>> -> memref<1x1x128xi32, #tpu.memory_space<vmem>>
        %dma_wait3A_390 = tpu.memref_squeeze %dma_wait3A_389 : memref<1x1x128xi32, #tpu.memory_space<vmem>> -> memref<128xi32, #tpu.memory_space<vmem>>
        %dma_wait3A_391 = arith.constant 0 : i32
        %dma_wait3A_392 = arith.constant 0 : i32
        %dma_wait3A_393 = tpu.memref_slice %arg11[%dma_wait3A_391, %dma_wait3A_392] : memref<2048x128xf32, #tpu.memory_space<vmem_shared>> -> memref<2048x128xf32, #tpu.memory_space<vmem_shared>>
        tpu.wait_indirect_dma semaphore(%run_scoped3A_381 : memref<!tpu.dma_semaphore, #tpu.memory_space<semaphore_mem>>) src(%arg10 : memref<128x128xf32, #tpu.memory_space<vmem>>) dst(%dma_wait3A_393 : memref<2048x128xf32, #tpu.memory_space<vmem_shared>>)
        tpu.yield
      }) : () -> ()
      %mul3A_372 = arith.constant 832 : i32
      %mul3A_373 = arith.muli %add3A, %mul3A_372 : i32
      %mul3A_374 = arith.constant 64 : i32
      %mul3A_375 = arith.muli %add3A_41, %mul3A_374 : i32
      %add3A_376 = arith.addi %mul3A_373, %mul3A_375 : i32
      %dma_start3A_377 = arith.constant 0 : i32
      %dma_start3A_378 = tpu.memref_slice %arg6[%add3A_376, %dma_start3A_377] : memref<26624x128xf32, #tpu.memory_space<hbm>> -> memref<64x128xf32, #tpu.memory_space<hbm>>
      %dma_start3A_379 = arith.constant 0 : i32
      %dma_start3A_380 = tpu.memref_slice %arg11[%add3A_46, %dma_start3A_379] : memref<2048x128xf32, #tpu.memory_space<vmem_shared>> -> memref<64x128xf32, #tpu.memory_space<vmem_shared>>
      tpu.enqueue_dma source(%dma_start3A_380 : memref<64x128xf32, #tpu.memory_space<vmem_shared>>) target(%dma_start3A_378 : memref<64x128xf32, #tpu.memory_space<hbm>>) target_semaphore(%arg13 : memref<!tpu.dma_semaphore, #tpu.memory_space<semaphore_mem>>)
    }
    %scan3A_27 = arith.constant 13 : i32
    %dma_wait3A = arith.constant 0 : i32
    %dma_wait3A_28 = arith.constant 0 : i32
    %dma_wait3A_29 = tpu.memref_slice %arg6[%dma_wait3A, %dma_wait3A_28] : memref<26624x128xf32, #tpu.memory_space<hbm>> -> memref<64x128xf32, #tpu.memory_space<hbm>>
    %dma_wait3A_30 = arith.constant 0 : i32
    %dma_wait3A_31 = tpu.memref_slice %arg11[%mul3A_8, %dma_wait3A_30] : memref<2048x128xf32, #tpu.memory_space<vmem_shared>> -> memref<64x128xf32, #tpu.memory_space<vmem_shared>>
    tpu.wait_dma2 semaphore(%arg13 : memref<!tpu.dma_semaphore, #tpu.memory_space<semaphore_mem>>) src(%dma_wait3A_31 : memref<64x128xf32, #tpu.memory_space<vmem_shared>>) dst(%dma_wait3A_29 : memref<64x128xf32, #tpu.memory_space<hbm>>)
    %dma_wait3A_32 = arith.constant 0 : i32
    %dma_wait3A_33 = arith.constant 0 : i32
    %dma_wait3A_34 = tpu.memref_slice %arg6[%dma_wait3A_32, %dma_wait3A_33] : memref<26624x128xf32, #tpu.memory_space<hbm>> -> memref<64x128xf32, #tpu.memory_space<hbm>>
    %dma_wait3A_35 = arith.constant 0 : i32
    %dma_wait3A_36 = tpu.memref_slice %arg11[%mul3A_8, %dma_wait3A_35] : memref<2048x128xf32, #tpu.memory_space<vmem_shared>> -> memref<64x128xf32, #tpu.memory_space<vmem_shared>>
    tpu.wait_dma2 semaphore(%arg13 : memref<!tpu.dma_semaphore, #tpu.memory_space<semaphore_mem>>) src(%dma_wait3A_36 : memref<64x128xf32, #tpu.memory_space<vmem_shared>>) dst(%dma_wait3A_34 : memref<64x128xf32, #tpu.memory_space<hbm>>)
    return
  }
}

module attributes {stable_mosaic.version = 14 : i64} {
  func.func @_dense_mlp_body(%arg0: memref<1024x128xf32, #tpu.memory_space<vmem>>, %arg1: memref<128x128xf32, #tpu.memory_space<vmem>>, %arg2: memref<1x128xf32, #tpu.memory_space<vmem>>, %arg3: memref<128x128xf32, #tpu.memory_space<vmem>>, %arg4: memref<1x128xf32, #tpu.memory_space<vmem>>, %arg5: memref<1024x128xbf16, #tpu.memory_space<vmem>>) attributes {dimension_semantics = [], scalar_prefetch = 0 : i64, scratch_operands = 0 : i64, tpu.core_type = #tpu.core_type<tc>} {
    %get3A = arith.constant 0 : index
    %get3A_0 = arith.constant 0 : index
    %get3A_1 = vector.load %arg0[%get3A, %get3A_0] : memref<1024x128xf32, #tpu.memory_space<vmem>>, vector<1024x128xf32>
    %get3A_2 = arith.constant 0 : index
    %get3A_3 = arith.constant 0 : index
    %get3A_4 = vector.load %arg1[%get3A_2, %get3A_3] : memref<128x128xf32, #tpu.memory_space<vmem>>, vector<128x128xf32>
    %dot_general3A = arith.constant dense<0.000000e+00> : vector<1024x128xf32>
    %dot_general3A_5 = tpu.matmul %get3A_1, %get3A_4, %dot_general3A {dimension_numbers = #tpu.dot_dimension_numbers<[1], [0], [0], [1], [0, 0, 1, 1], [], []>, transpose_lhs_hint = false} : vector<1024x128xf32>, vector<128x128xf32>, vector<1024x128xf32> -> vector<1024x128xf32>
    %get3A_6 = arith.constant 0 : index
    %get3A_7 = arith.constant 0 : index
    %get3A_8 = vector.load %arg2[%get3A_6, %get3A_7] : memref<1x128xf32, #tpu.memory_space<vmem>>, vector<1x128xf32>
    %add3A = vector.broadcast %get3A_8 : vector<1x128xf32> to vector<1024x128xf32>
    %add3A_9 = arith.addf %dot_general3A_5, %add3A : vector<1024x128xf32>
    %max3A = arith.constant 0.000000e+00 : f32
    %max3A_10 = vector.broadcast %max3A : f32 to vector<1024x128xf32>
    %max3A_11 = arith.maximumf %add3A_9, %max3A_10 : vector<1024x128xf32>
    %get3A_12 = arith.constant 0 : index
    %get3A_13 = arith.constant 0 : index
    %get3A_14 = vector.load %arg3[%get3A_12, %get3A_13] : memref<128x128xf32, #tpu.memory_space<vmem>>, vector<128x128xf32>
    %dot_general3A_15 = arith.constant dense<0.000000e+00> : vector<1024x128xf32>
    %dot_general3A_16 = tpu.matmul %max3A_11, %get3A_14, %dot_general3A_15 {dimension_numbers = #tpu.dot_dimension_numbers<[1], [0], [0], [1], [0, 0, 1, 1], [], []>, transpose_lhs_hint = false} : vector<1024x128xf32>, vector<128x128xf32>, vector<1024x128xf32> -> vector<1024x128xf32>
    %get3A_17 = arith.constant 0 : index
    %get3A_18 = arith.constant 0 : index
    %get3A_19 = vector.load %arg4[%get3A_17, %get3A_18] : memref<1x128xf32, #tpu.memory_space<vmem>>, vector<1x128xf32>
    %add3A_20 = vector.broadcast %get3A_19 : vector<1x128xf32> to vector<1024x128xf32>
    %add3A_21 = arith.addf %dot_general3A_16, %add3A_20 : vector<1024x128xf32>
    %max3A_22 = arith.constant 0.000000e+00 : f32
    %max3A_23 = vector.broadcast %max3A_22 : f32 to vector<1024x128xf32>
    %max3A_24 = arith.maximumf %add3A_21, %max3A_23 : vector<1024x128xf32>
    %convert_element_type3A = arith.truncf %max3A_24 : vector<1024x128xf32> to vector<1024x128xbf16>
    %swap3A = arith.constant 0 : index
    %swap3A_25 = arith.constant 0 : index
    %swap3A_26 = vector.load %arg5[%swap3A, %swap3A_25] : memref<1024x128xbf16, #tpu.memory_space<vmem>>, vector<1024x128xbf16>
    tpu.vector_store %arg5[%swap3A, %swap3A_25], %convert_element_type3A {strides = array<i32>} : memref<1024x128xbf16, #tpu.memory_space<vmem>>, vector<1024x128xbf16>,
    return
  }
}

module attributes {stable_mosaic.version = 14 : i64} {
  func.func @_top_mlp_body(%arg0: i32, %arg1: memref<256x128xbf16, #tpu.memory_space<vmem>>, %arg2: memref<256x3328xbf16, #tpu.memory_space<vmem>>, %arg3: memref<128x512xf32, #tpu.memory_space<vmem>>, %arg4: memref<3328x512xf32, #tpu.memory_space<vmem>>, %arg5: memref<1x512xf32, #tpu.memory_space<vmem>>, %arg6: memref<512x128xf32, #tpu.memory_space<vmem>>, %arg7: memref<1x1xf32, #tpu.memory_space<vmem>>, %arg8: memref<256x128xf32, #tpu.memory_space<vmem>>) attributes {dimension_semantics = [#tpu.dimension_semantics<arbitrary>], iteration_bounds = array<i64: 4>, scalar_prefetch = 0 : i64, scratch_operands = 0 : i64, tpu.core_type = #tpu.core_type<tc>, window_params = [{transform_indices = @transform_0, window_bounds = array<i64: 256, 128>}, {transform_indices = @transform_1, window_bounds = array<i64: 256, 3328>}, {pipeline_mode = #tpu.pipeline_mode<synchronous>, transform_indices = @transform_2, window_bounds = array<i64: 128, 512>}, {pipeline_mode = #tpu.pipeline_mode<synchronous>, transform_indices = @transform_3, window_bounds = array<i64: 3328, 512>}, {pipeline_mode = #tpu.pipeline_mode<synchronous>, transform_indices = @transform_4, window_bounds = array<i64: 1, 512>}, {pipeline_mode = #tpu.pipeline_mode<synchronous>, transform_indices = @transform_5, window_bounds = array<i64: 512, 128>}, {pipeline_mode = #tpu.pipeline_mode<synchronous>, transform_indices = @transform_6, window_bounds = array<i64: 1, 1>}, {transform_indices = @transform_7, window_bounds = array<i64: 256, 128>}]} {
    %get3A = arith.constant 0 : index
    %get3A_0 = arith.constant 0 : index
    %get3A_1 = vector.load %arg1[%get3A, %get3A_0] : memref<256x128xbf16, #tpu.memory_space<vmem>>, vector<256x128xbf16>
    %get3A_2 = arith.constant 0 : index
    %get3A_3 = arith.constant 0 : index
    %get3A_4 = vector.load %arg3[%get3A_2, %get3A_3] : memref<128x512xf32, #tpu.memory_space<vmem>>, vector<128x512xf32>
    %convert_element_type3A = arith.truncf %get3A_4 : vector<128x512xf32> to vector<128x512xbf16>
    %dot_general3A = arith.constant dense<0.000000e+00> : vector<256x512xf32>
    %dot_general3A_5 = tpu.matmul %get3A_1, %convert_element_type3A, %dot_general3A {dimension_numbers = #tpu.dot_dimension_numbers<[1], [0], [0], [1], [0, 0, 1, 1], [], []>, transpose_lhs_hint = false} : vector<256x128xbf16>, vector<128x512xbf16>, vector<256x512xf32> -> vector<256x512xf32>
    %get3A_6 = arith.constant 0 : index
    %get3A_7 = arith.constant 0 : index
    %get3A_8 = vector.load %arg2[%get3A_6, %get3A_7] : memref<256x3328xbf16, #tpu.memory_space<vmem>>, vector<256x3328xbf16>
    %get3A_9 = arith.constant 0 : index
    %get3A_10 = arith.constant 0 : index
    %get3A_11 = vector.load %arg4[%get3A_9, %get3A_10] : memref<3328x512xf32, #tpu.memory_space<vmem>>, vector<3328x512xf32>
    %convert_element_type3A_12 = arith.truncf %get3A_11 : vector<3328x512xf32> to vector<3328x512xbf16>
    %dot_general3A_13 = arith.constant dense<0.000000e+00> : vector<256x512xf32>
    %dot_general3A_14 = tpu.matmul %get3A_8, %convert_element_type3A_12, %dot_general3A_13 {dimension_numbers = #tpu.dot_dimension_numbers<[1], [0], [0], [1], [0, 0, 1, 1], [], []>, transpose_lhs_hint = false} : vector<256x3328xbf16>, vector<3328x512xbf16>, vector<256x512xf32> -> vector<256x512xf32>
    %add3A = arith.addf %dot_general3A_5, %dot_general3A_14 : vector<256x512xf32>
    %get3A_15 = arith.constant 0 : index
    %get3A_16 = arith.constant 0 : index
    %get3A_17 = vector.load %arg5[%get3A_15, %get3A_16] : memref<1x512xf32, #tpu.memory_space<vmem>>, vector<1x512xf32>
    %add3A_18 = vector.broadcast %get3A_17 : vector<1x512xf32> to vector<256x512xf32>
    %add3A_19 = arith.addf %add3A, %add3A_18 : vector<256x512xf32>
    %max3A = arith.constant 0.000000e+00 : f32
    %max3A_20 = vector.broadcast %max3A : f32 to vector<256x512xf32>
    %max3A_21 = arith.maximumf %add3A_19, %max3A_20 : vector<256x512xf32>
    %get3A_22 = arith.constant 0 : index
    %get3A_23 = arith.constant 0 : index
    %get3A_24 = vector.load %arg6[%get3A_22, %get3A_23] : memref<512x128xf32, #tpu.memory_space<vmem>>, vector<512x128xf32>
    %dot_general3A_25 = arith.constant dense<0.000000e+00> : vector<256x128xf32>
    %dot_general3A_26 = tpu.matmul %max3A_21, %get3A_24, %dot_general3A_25 {dimension_numbers = #tpu.dot_dimension_numbers<[1], [0], [0], [1], [0, 0, 1, 1], [], []>, transpose_lhs_hint = false} : vector<256x512xf32>, vector<512x128xf32>, vector<256x128xf32> -> vector<256x128xf32>
    %get3A_27 = arith.constant 0 : index
    %get3A_28 = arith.constant 0 : index
    %get3A_29 = vector.load %arg7[%get3A_27, %get3A_28] : memref<1x1xf32, #tpu.memory_space<vmem>>, vector<1x1xf32>
    %add3A_30 = vector.broadcast %get3A_29 : vector<1x1xf32> to vector<256x128xf32>
    %add3A_31 = arith.addf %dot_general3A_26, %add3A_30 : vector<256x128xf32>
    %max3A_32 = arith.constant 0.000000e+00 : f32
    %max3A_33 = vector.broadcast %max3A_32 : f32 to vector<256x128xf32>
    %max3A_34 = arith.maximumf %add3A_31, %max3A_33 : vector<256x128xf32>
    %swap3A = arith.constant 0 : index
    %swap3A_35 = arith.constant 0 : index
    %swap3A_36 = vector.load %arg8[%swap3A, %swap3A_35] : memref<256x128xf32, #tpu.memory_space<vmem>>, vector<256x128xf32>
    tpu.vector_store %arg8[%swap3A, %swap3A_35], %max3A_34 {strides = array<i32>} : memref<256x128xf32, #tpu.memory_space<vmem>>, vector<256x128xf32>,
    return
  }
  func.func @transform_0(%arg0: i32) -> (i32, i32) {
    %c0_i32 = arith.constant 0 : i32
    %c0_i32_0 = arith.constant 0 : i32
    return %arg0, %c0_i32 : i32, i32
  }
  func.func @transform_1(%arg0: i32) -> (i32, i32) {
    %c0_i32 = arith.constant 0 : i32
    %c0_i32_0 = arith.constant 0 : i32
    return %arg0, %c0_i32 : i32, i32
  }
  func.func @transform_2(%arg0: i32) -> (i32, i32) {
    %c0_i32 = arith.constant 0 : i32
    %c0_i32_0 = arith.constant 0 : i32
    %c0_i32_1 = arith.constant 0 : i32
    return %c0_i32, %c0_i32_0 : i32, i32
  }
  func.func @transform_3(%arg0: i32) -> (i32, i32) {
    %c0_i32 = arith.constant 0 : i32
    %c0_i32_0 = arith.constant 0 : i32
    %c0_i32_1 = arith.constant 0 : i32
    return %c0_i32, %c0_i32_0 : i32, i32
  }
  func.func @transform_4(%arg0: i32) -> (i32, i32) {
    %c0_i32 = arith.constant 0 : i32
    %c0_i32_0 = arith.constant 0 : i32
    %c0_i32_1 = arith.constant 0 : i32
    return %c0_i32, %c0_i32_0 : i32, i32
  }
  func.func @transform_5(%arg0: i32) -> (i32, i32) {
    %c0_i32 = arith.constant 0 : i32
    %c0_i32_0 = arith.constant 0 : i32
    %c0_i32_1 = arith.constant 0 : i32
    return %c0_i32, %c0_i32_0 : i32, i32
  }
  func.func @transform_6(%arg0: i32) -> (i32, i32) {
    %c0_i32 = arith.constant 0 : i32
    %c0_i32_0 = arith.constant 0 : i32
    %c0_i32_1 = arith.constant 0 : i32
    return %c0_i32, %c0_i32_0 : i32, i32
  }
  func.func @transform_7(%arg0: i32) -> (i32, i32) {
    %c0_i32 = arith.constant 0 : i32
    %c0_i32_0 = arith.constant 0 : i32
    return %arg0, %c0_i32 : i32, i32
  }
}

</mosaic_0001>

<sc_bundles>
// kernel: kernel.5.cloned.1.call-start
scs
__scs_entry_jumppad:
0x0: {  	(pc) =	sbr.rel $0x88, $3  }
0x1: {  	(tag) =	ssettag $0x0;
	lr =	simm.s32 $0x1  }
0x2: {  	[smem:$0x3F96] =	sst lr;
	_ =	strace $0xD0000000  }
0x3: {  	_ = 	snop  }
0x4: {  	_ = 	snop  }
0x5: {  	_ = 	snop  }
0x6: {  	_ = 	snop  }
0x7: {  	_ = 	snop  }
__scs_overlays_trampoline_lowered:
0x8: {  	[smem:$0x3FA5] =	sst s0  }
0x9: {  	[smem:$0x3FA6] =	sst s1  }
0xa: {  	[smem:$0x3FA7] =	sst s2  }
0xb: {  	[smem:$0x3FA8] =	sst s3  }
0xc: {  	[smem:$0x3FA9] =	sst s4  }
0xd: {  	[smem:$0x3FAA] =	sst s5  }
0xe: {  	[smem:$0x3FAB] =	sst s6  }
0xf: {  	[smem:$0x3FAC] =	sst s7  }
0x10: {  	[smem:$0x3FAD] =	sst s8  }
0x11: {  	[smem:$0x3FAE] =	sst s9;
	s0 =	simm.s32 @!p0 $0x0  }
0x12: {  	s1 =	sld [smem:$0x3F94];
	s0 =	simm.s32 @p0 $0x1  }
0x13: {  	[smem:$0x3FAF] =	sst s0;
	s0 =	simm.s32 @!p1 $0x0  }
0x14: {  	s2 =	sld [smem:$0x3F93];
	s0 =	simm.s32 @p1 $0x1  }
0x15: {  	[smem:$0x3FB0] =	sst s0;
	s0 =	simm.s32 @!p2 $0x0  }
0x16: {  	s3 =	sld [smem:$0x3FDB];
	s0 =	simm.s32 @p2 $0x1  }
0x17: {  	s4 =	simm.s32 $0x1BF5;
	[smem:$0x3FB2] =	sst s0  }
0x18: {  	s0 =	sld [smem:$0x3F95];
	_ =	swait.ge [sflag:s4], $0x0  }
0x19: {  	s7 =	sld [smem:$0x3F96]  }
0x1a: {  	s8 =	sadd.s32 $0xFFFFE003, lr  }
0x1b: {  	s9 =	sadd.s32 $0xFFFFFEF7, lr;
	s5 =	simm.s32 $0xFFFFFFFF;
	p2 =	slt.u32 s8, $0xFFFFF086  }
0x1c: {  	p1 =	slt.u32 s9, $0xF7A;
	s5 =	simm.s32 @!p2 $0x0  }
0x1d: {  	s5 =	simm.s32 @p1 $0x1;
	p0 =	seq.s32 s7, s2  }
0x1e: {  	s7 =	smul.u32 @!p0 $0xF7A, s2;
	p2 =	seq.s32 @!p0 s5, $0x0  }
0x1f: {  	s9 =	smul.u32 $0xF7A, s1;
	s8 =	simm.s32 @!p0 $0x1BF5;
	p2 =	por !p2, p0  }
0x20: {  	[sflag:s8] =	ssyncset.s32 @!p0 $0xFFFFF086;
	s6 =	sadd.s32 @!p0 s3, s7;
	s7 =	simm.s32 @!p0 $0x108  }
0x21: {  	s3 =	sadd.s32 s3, s9;
	s6 =	sadd.s32 @!p0 $0x88, s6;
	s7 =	simm.s32 @p2 $0x1082  }
0x22: {  	[simem:s7], [sflag:s8] =	dma.local @!p0 [hbm:s6], $0xF7A  }
0x23: {  	s9 =	sor.u32 $0xD0000000, s2;
	s6 =	simm.s32 $0x108;
	_ =	swait.ge @!p0 [sflag:s8], $0x0  }
0x24: {  	s3 =	sadd.s32 $0x88, s3;
	s6 =	simm.s32 @!p1 $0x1082;
	[sflag:s4] =	ssyncset.s32 $0xFFFFF086  }
0x25: {  	[simem:s6], [sflag:s4] =	dma.local [hbm:s3], $0xF7A  }
0x26: {  	[smem:$0x3F96] =	sst s1;
	(tag) =	ssettag s2;
	_ =	strace s9  }
0x27: {  	s1 =	sld [smem:$0x3FA6]  }
0x28: {  	s2 =	sld [smem:$0x3FA7]  }
0x29: {  	s4 =	sld [smem:$0x3FA9]  }
0x2a: {  	p0 =	seq.s32 s5, $0x0;
	s5 =	sld [smem:$0x3FAA]  }
0x2b: {  	s6 =	sld [smem:$0x3FAB]  }
0x2c: {  	s7 =	sld [smem:$0x3FAC]  }
0x2d: {  	s3 =	simm.s32 $0x108;
	s8 =	sld [smem:$0x3FAD]  }
0x2e: {  	s3 =	simm.s32 @!p0 $0x1082;
	s9 =	sld [smem:$0x3FAE]  }
0x2f: {  	lr =	sadd.s32 s0, s3;
	s0 =	sld [smem:$0x3FA5]  }
0x30: {  	s3 =	sld [smem:$0x3FA8]  }
0x31: {  	[smem:$0x3FB1] =	sst s10  }
0x32: {  	s10 =	sld [smem:$0x3FAF];
	_ =	sdelay $0x3  }
0x33: {  	p0 =	seq.s32 s10, $0x1;
	s10 =	sld [smem:$0x3FB1];
	_ =	sdelay $0x3  }
0x34: {  	[smem:$0x3FB1] =	sst s10  }
0x35: {  	s10 =	sld [smem:$0x3FB0];
	_ =	sdelay $0x3  }
0x36: {  	p1 =	seq.s32 s10, $0x1;
	s10 =	sld [smem:$0x3FB1];
	_ =	sdelay $0x3  }
0x37: {  	[smem:$0x3FB1] =	sst s10  }
0x38: {  	s10 =	sld [smem:$0x3FB2]  }
0x39: {  	_ = 	snop;
	(pc) =	sbr.ind lr, $3  }
0x3a: {  	_ = 	snop  }
0x3b: {  	_ = 	snop  }
0x3c: {  	p2 =	seq.s32 s10, $0x1;
	s10 =	sld [smem:$0x3FB1]  }
0x3d: {  	_ =	shalt  }
0x3e: {  	_ =	shalt  }
0x3f: {  	_ =	shalt  }
0x40: {  	_ =	shalt  }
0x41: {  	_ =	shalt  }
0x42: {  	_ =	shalt  }
0x43: {  	_ =	shalt  }
0x44: {  	_ =	shalt  }
0x45: {  	_ =	shalt  }
0x46: {  	_ =	shalt  }
0x47: {  	_ =	shalt  }
0x48: {  	_ =	shalt  }
0x49: {  	_ =	shalt  }
0x4a: {  	_ =	shalt  }
0x4b: {  	_ =	shalt  }
0x4c: {  	_ =	shalt  }
0x4d: {  	_ =	shalt  }
0x4e: {  	_ =	shalt  }
0x4f: {  	_ =	shalt  }
0x50: {  	_ =	shalt  }
0x51: {  	_ =	shalt  }
0x52: {  	_ =	shalt  }
0x53: {  	_ =	shalt  }
0x54: {  	_ =	shalt  }
0x55: {  	_ =	shalt  }
0x56: {  	_ =	shalt  }
0x57: {  	_ =	shalt  }
0x58: {  	_ =	shalt  }
0x59: {  	_ =	shalt  }
0x5a: {  	_ =	shalt  }
0x5b: {  	_ =	shalt  }
0x5c: {  	_ =	shalt  }
0x5d: {  	_ =	shalt  }
0x5e: {  	_ =	shalt  }
0x5f: {  	_ =	shalt  }
0x60: {  	_ =	shalt  }
0x61: {  	_ =	shalt  }
0x62: {  	_ =	shalt  }
0x63: {  	_ =	shalt  }
0x64: {  	_ =	shalt  }
0x65: {  	_ =	shalt  }
0x66: {  	_ =	shalt  }
0x67: {  	_ =	shalt  }
0x68: {  	_ =	shalt  }
0x69: {  	_ =	shalt  }
0x6a: {  	_ =	shalt  }
0x6b: {  	_ =	shalt  }
0x6c: {  	_ =	shalt  }
0x6d: {  	_ =	shalt  }
0x6e: {  	_ =	shalt  }
0x6f: {  	_ =	shalt  }
0x70: {  	_ =	shalt  }
0x71: {  	_ =	shalt  }
0x72: {  	_ =	shalt  }
0x73: {  	_ =	shalt  }
0x74: {  	_ =	shalt  }
0x75: {  	_ =	shalt  }
0x76: {  	_ =	shalt  }
0x77: {  	_ =	shalt  }
0x78: {  	_ =	shalt  }
0x79: {  	_ =	shalt  }
0x7a: {  	_ =	shalt  }
0x7b: {  	_ =	shalt  }
0x7c: {  	_ =	shalt  }
0x7d: {  	_ =	shalt  }
0x7e: {  	_ =	shalt  }
0x7f: {  	_ =	shalt  }
0x80: {  	_ =	shalt  }
0x81: {  	_ =	shalt  }
0x82: {  	_ =	shalt  }
0x83: {  	_ =	shalt  }
0x84: {  	_ =	shalt  }
0x85: {  	_ =	shalt  }
0x86: {  	_ =	shalt  }
0x87: {  	_ =	shalt  }
.Lfunc_end0:
.L_simem_size_0:
called_computation_lowered:
.L_overlay_start_0:
0x88: {  	s2 =	sld [smem:$0x3FD9]  }
0x89: {  	s3 =	sld [smem:$0x3FFE];
	_ =	sdelay $0x1  }
0x8a: {  	s1 =	srdreg.scid  }
0x8b: {  	s0 =	sand.u32 $0x1, s1  }
0x8c: {  	s17 =	sshll.u32 s0, $0xA;
	s2 =	sadd.s32 s3, s2  }
0x8d: {  	s2 =	sadd.s32 s2, s17  }
0x8e: {  	[smem:$0x3FBD] =	sst s2  }
0x8f: {  	_ = 	snop  }
0x90: {  	s2 =	sld [smem:$0x3FC7];
	(tm) =	ssettm $0x1  }
0x91: {  	s18 =	sld [smem:$0x3FFB];
	_ =	sdelay $0x3  }
0x92: {  	_ =	strace s18  }
0x93: {  	s3 =	sld [smem:$0x3FFC];
	_ =	sdelay $0x3  }
0x94: {  	_ =	strace s3  }
0x95: {  	s3 =	sld [smem:$0x3FFD];
	_ =	sdelay $0x3  }
0x96: {  	_ =	strace s3  }
0x97: {  	_ =	strace $0x8FFFFFFF  }
0x98: {  	s19 =	sld [smem:$0x3FDB];
	_ =	sdelay $0x1  }
0x99: {  	s4 =	simm.s32 $_scs_section_size  }
0x9a: {  	s5 =	simm.s32 $_size__tile_overlayer_lowered;
	s6 =	simm.s32 $_tile_overlayer_lowered  }
0x9b: {  	s22 =	simm.s32 $0x1BFF;
	s21 =	sshll.u32 s6, $0x1;
	s3 =	sadd.s32 s4, s19  }
0x9c: {  	s7 =	simm.s32 $0x0;
	s20 =	sshll.u32 s5, $0x1;
	s5 =	sadd.s32 s21, s3  }
0x9d: {  	[timem:s7], [sflag:s22] =	dma.local [hbm:s5], s20  }
0x9e: {  	_ =	swait.ge [sflag:s22], s20  }
0x9f: {  	s4 =	ssub.s32 $0x0, s20;
	[sflag:s22] =	ssyncset.done $0x0  }
0xa0: {  	[sflag:s22] =	ssyncadd.s32 s4;
	_ =	sdelay $0x1  }
0xa1: {  	s23 =	simm.s32 $0x1B8B  }
0xa2: {  	_ =	swait.ge [sflag:s23], $0x1  }
0xa3: {  	[sflag:s23] =	ssyncset.done $0x0  }
0xa4: {  	s25 =	simm.s32 $0x1B8E;
	s24 =	sld [smem:$0x3FFE];
	[sflag:s23] =	ssyncadd.s32 $0xFFFFFFFF  }
0xa5: {  	s26 =	simm.s32 $execute0_lowered;
	[smem:$0x3FD2] =	sst s25  }
0xa6: {  	s5 =	sshll.u32 s26, $0x1;
	_ =	strace $0x80000046;
	[dreg:$0x1] =	wrdreg $0xFFFFFFFF  }
0xa7: {  	s28 =	simm.s32 $_size_execute0_lowered;
	s3 =	sadd.s32 s3, s5;
	[dreg:$0x0] =	wrdreg $0x0  }
0xa8: {  	s5 =	sshll.u32 s28, $0x1;
	[dreg:$0x2] =	wrdreg s3  }
0xa9: {  	[dreg:$0x3] =	wrdreg s5  }
0xaa: {  	[dreg:$0x4] =	wrdreg $0xC0  }
0xab: {  	_ =	task [dreg:s7], $0x5FFFF  }
0xac: {  	[dreg:$0x1] =	wrdreg $0xFFFFFFFF  }
0xad: {  	[dreg:$0x0] =	wrdreg $0x60  }
0xae: {  	[dreg:$0x2] =	wrdreg s2  }
0xaf: {  	[dreg:$0x3] =	wrdreg s24  }
0xb0: {  	[dreg:$0x4] =	wrdreg $0xD4000  }
0xb1: {  	[dreg:$0x5] =	wrdreg $0x9  }
0xb2: {  	_ =	task.clear_ibuf [dreg:s7], $0x6FFFF;
	_ =	strace $0x90000046  }
0xb3: {  	s29 =	simm.s32 $0x9;
	_ =	strace $0x80000048  }
0xb4: {  	_ =	swait.ge [sflag:s29], $0x1  }
0xb5: {  	[sflag:s29] =	ssyncadd.s32 $0xFFFFFFFF  }
0xb6: {  	_ =	strace $0x90000048  }
0xb7: {  	_ =	sfence  }
0xb8: {  	s30 =	sld [smem:$0x0];
	_ =	sdelay $0x2  }
0xb9: {  	s31 =	sshll.u32 s1, $0xD;
	s1 =	sshrl.u32 s1, $0x2  }
0xba: {  	s3 =	sand.u32 $0x4000, s31;
	s1 =	sadd.s32 s1, s30  }
0xbb: {  	s0 =	sor.u32 s3, s0;
	s1 =	sshll.u32 s1, $0x11  }
0xbc: {  	s0 =	sor.u32 s1, s0  }
0xbd: {  	s0 =	sadd.s32 $0x8F2B, s0  }
0xbe: {  	[sflag:s0] =	ssyncadd.remote.s32 $0x1  }
0xbf: {  	_ =	sfence.sel $0xFFFF  }
0xc0: {  	[dreg:$0x0] =	wrdreg $0xFFFFFFFF;
	(pc) =	sbr.abs _section_cstart, $3  }
0xc1: {  	[dreg:$0x1] =	wrdreg $0xFFFFFFFF  }
0xc2: {  	_ =	task.clear_ibuf [dreg:s7], $0x2FFFF;
	_ =	strace $0x9FFFFFFF  }
0xc3: {  	(tm) =	ssettm $0x7FFFFFFF  }
tec
execute0_lowered:
.L_overlay_start_1:
0x0: {  	(tag) =	ssettag $0x1  }
0x1: {  	s1 =	rddreg [dreg:$0x0]  }
0x2: {  	s6 =	rddreg [dreg:$0x1];
	s0 =	stileid.u32  }
0x3: {  	s2 =	srdreg.scid;
	s3 =	rddreg [dreg:$0x2]  }
0x4: {  	s4 =	simm.s32 $0x0;
	s16 =	simm.s32 $0x1;
	s17 =	simm.s32 $0x5400  }
0x5: {  	s5 =	smul.u32 $0x140, s0;
	s7 =	sand.u32 $0x1, s2;
	s2 =	rddreg [dreg:$0x3]  }
0x6: {  	s19 =	simm.s32 $0x0;
	[smem:$0x7FF] =	sst s4;
	s9 =	smul.u32 $0x1A000, s0  }
0x7: {  	s10 =	sadd.s32 $0x1600, s6;
	s14 =	smul.u32 $0x82, s0;
	s29 =	sshll.u32 s0, $0xE  }
0x8: {  	s18 =	sshll.u32 s0, $0x6;
	s8 =	smul.u32 $0x1A0000, s7;
	_ =	strace $0x80000047  }
0x9: {  	s25 =	ssub.s32 $0x2, s7;
	s12 =	smul.u32 $0x820, s7;
	s7 =	sshll.u32 s7, $0x4  }
0xa: {  	s18 =	sor.u32 $0x1C02, s18;
	s11 =	sadd.s32 s5, s6;
	s5 =	sadd.s32 $0x12E00, s6  }
0xb: {  	s13 =	sshrl.u32 s25, $0x1;
	s28 =	sor.u32 s0, s7;
	[dreg:$0x5] =	wrdreg s18  }
0xc: {  	s18 =	simm.s32 $0x2;
	s8 =	sadd.s32 s9, s8;
	s26 =	ssub.s32 s25, s13  }
0xd: {  	s7 =	smul.u32 $0x820, s28;
	s12 =	sadd.s32 s14, s12;
	s9 =	sadd.s32 s29, s3  }
0xe: {  	s13 =	simm.s32 $0x9400;
	s14 =	simm.s32 $0x80;
	s8 =	sshrl.u32 s8, $0x3  }
0xf: {  	s30 =	sshll.u32 s12, $0x4;
	[dreg:$0x4] =	wrdreg s9;
	s12 =	simm.s32 $0x3  }
0x10: {  	s15 =	sadd.s32 s8, s6;
	s6 =	sadd.s32 $0x11A00, s11;
	s7 =	sadd.s32 s10, s7  }
0x11: {  	s31 =	sadd.s32 s10, s30;
	s8 =	smax.u32 s26, $0x1;
	s11 =	simm.s32 $0xA00  }
0x12: {  	s9 =	sadd.s32 $0xA0, s31;
	s10 =	sadd.s32 $0x13600, s15;
	s15 =	simm.s32 $0x1400  }
.LBB2_1:
0x13: {  	[tilespmem:s11], [sflag:$0x3] =	stream.linear.gather [hbm4b:s6+s4], $0xA00, $0x38;
	[tilespmem:$0x11400] =	vst v63  }
0x14: {  	_ =	swait.ge [sflag:s12], $0xA00  }
0x15: {  	[sflag:s12] =	ssyncset.done $0x0  }
0x16: {  	[sflag:s12] =	ssyncadd.s32 $0xFFFFF600  }
0x17: {  	[tilespmem:s13], [sflag:$0x3] =	stream.linear.gather [hbm4b:s5+s4], $0x4000, $0x38;
	[tilespmem:$0x11400] =	vst v63  }
0x18: {  	_ =	swait.ge [sflag:s12], $0x4000  }
0x19: {  	[sflag:s12] =	ssyncset.done $0x0  }
0x1a: {  	[sflag:s12] =	ssyncadd.s32 $0xFFFFC000  }
0x1b: {  	[tilespmem:s4], [sflag:$0x3] =	stream.linear.gather [hbm4b:s7+s4], $0x500, $0x38;
	[tilespmem:$0x11400] =	vst v63  }
0x1c: {  	p0 =	por $0x1, $0x1;
	_ =	swait.ge [sflag:s12], $0x500  }
0x1d: {  	p0 =	por p0, p0;
	[sflag:s12] =	ssyncset.done $0x0  }
0x1e: {  	s22 =	sand.u32 $0x1, s4;
	s20 =	simm.s32 @!p0 $0x2;
	[sflag:s12] =	ssyncadd.s32 $0xFFFFFB00  }
0x1f: {  	[tilespmem:s15], [sflag:$0x1] =	stream.indirect.gather [hbm4b:s1+s14], $0x80, s4, s14, $0xb8;
	[tilespmem:$0x11400] =	vst v63  }
0x20: {  	s25 =	sshll.u32 s22, $0xD;
	_ =	swait.ge @!p0 [sflag:s20], $0x400  }
0x21: {  	s23 =	sxor.u32 $0x1, s22;
	s21 =	rddreg [dreg:$0x4];
	[sflag:s20] =	ssyncset.done @!p0 $0x0  }
0x22: {  	[sflag:s20] =	ssyncadd.s32 @!p0 $0xFFFFFC00;
	p0 =	por $0x0, $0x0;
	s20 =	sadd.s32 s25, s21  }
0x23: {  	[spmem:s20] =	stream.linear.scatter [tilespmem:s13], [sflag:$0x3], $0x2000, $0x38;
	[tilespmem:$0x11400] =	vst v63  }
0x24: {  	s21 =	smul.u32 @!p0 $0x1400, s23;
	_ =	swait.ge [sflag:s12], $0x2000  }
0x25: {  	s23 =	simm.s32 @!p0 $0x3;
	[sflag:s12] =	ssyncset.done $0x0  }
0x26: {  	s24 =	simm.s32 @!p0 $0x0;
	s21 =	sshrl.u32 @!p0 s21, $0x2;
	[sflag:s12] =	ssyncadd.s32 $0xFFFFE000  }
0x27: {  	[tilespmem:s21], [sflag:$0x3] =	stream.linear.gather @!p0 [hbm4b:s9+s24], $0x500, $0x38;
	[tilespmem:$0x11400] =	vst v63  }
0x28: {  	_ =	swait.ge @!p0 [sflag:s23], $0x500  }
0x29: {  	[sflag:s23] =	ssyncset.done @!p0 $0x0  }
0x2a: {  	s22 =	smul.u32 $0x1400, s22;
	[sflag:s23] =	ssyncadd.s32 @!p0 $0xFFFFFB00  }
0x2b: {  	_ =	swait.ge [sflag:s16], $0x4000  }
0x2c: {  	s22 =	sshrl.u32 s22, $0x2;
	[sflag:s16] =	ssyncset.done $0x0  }
0x2d: {  	s26 =	sor.u32 $0x80, s22;
	[sflag:s16] =	ssyncadd.s32 $0xFFFFC000  }
0x2e: {  	[tilespmem:s17], [sflag:$0x1] =	stream.indirect.gather [hbm4b:s1+s14], $0x80, s26, s14, $0xb8;
	[tilespmem:$0x11400] =	vst v63  }
0x2f: {  	s28 =	sadd.s32 $0xA00, s22  }
0x30: {  	[spmem:s3] =	stream.indirect.scatter.add.f32 [tilespmem:s15], [sflag:$0x3], $0x80, s28, s14, $0xb8;
	[tilespmem:$0x11400] =	vst v63  }
0x31: {  	_ =	swait.ge [sflag:s12], $0x4000  }
0x32: {  	[sflag:s12] =	ssyncset.done $0x0  }
0x33: {  	[sflag:s12] =	ssyncadd.s32 $0xFFFFC000  }
0x34: {  	_ =	swait.ge [sflag:s16], $0x4000  }
0x35: {  	[sflag:s16] =	ssyncset.done $0x0  }
0x36: {  	s29 =	sadd.s32 $0x100, s22;
	[sflag:s16] =	ssyncadd.s32 $0xFFFFC000  }
0x37: {  	[tilespmem:s15], [sflag:$0x1] =	stream.indirect.gather [hbm4b:s1+s14], $0x80, s29, s14, $0xb8;
	[tilespmem:$0x11400] =	vst v63  }
0x38: {  	s30 =	sadd.s32 $0xA80, s22  }
0x39: {  	[spmem:s3] =	stream.indirect.scatter.add.f32 [tilespmem:s17], [sflag:$0x3], $0x80, s30, s14, $0xb8;
	[tilespmem:$0x11400] =	vst v63  }
0x3a: {  	_ =	swait.ge [sflag:s12], $0x4000  }
0x3b: {  	[sflag:s12] =	ssyncset.done $0x0  }
0x3c: {  	[sflag:s12] =	ssyncadd.s32 $0xFFFFC000  }
0x3d: {  	_ =	swait.ge [sflag:s16], $0x4000  }
0x3e: {  	[sflag:s16] =	ssyncset.done $0x0  }
0x3f: {  	s31 =	sadd.s32 $0x180, s22;
	[sflag:s16] =	ssyncadd.s32 $0xFFFFC000  }
0x40: {  	[tilespmem:s17], [sflag:$0x1] =	stream.indirect.gather [hbm4b:s1+s14], $0x80, s31, s14, $0xb8;
	[tilespmem:$0x11400] =	vst v63  }
0x41: {  	s24 =	sadd.s32 $0xB00, s22  }
0x42: {  	[spmem:s3] =	stream.indirect.scatter.add.f32 [tilespmem:s15], [sflag:$0x3], $0x80, s24, s14, $0xb8;
	[tilespmem:$0x11400] =	vst v63  }
0x43: {  	_ =	swait.ge [sflag:s12], $0x4000  }
0x44: {  	[sflag:s12] =	ssyncset.done $0x0  }
0x45: {  	[sflag:s12] =	ssyncadd.s32 $0xFFFFC000  }
0x46: {  	_ =	swait.ge [sflag:s16], $0x4000  }
0x47: {  	[sflag:s16] =	ssyncset.done $0x0  }
0x48: {  	s25 =	sadd.s32 $0x200, s22;
	[sflag:s16] =	ssyncadd.s32 $0xFFFFC000  }
0x49: {  	[tilespmem:s15], [sflag:$0x1] =	stream.indirect.gather [hbm4b:s1+s14], $0x80, s25, s14, $0xb8;
	[tilespmem:$0x11400] =	vst v63  }
0x4a: {  	s26 =	sadd.s32 $0xB80, s22  }
0x4b: {  	[spmem:s3] =	stream.indirect.scatter.add.f32 [tilespmem:s17], [sflag:$0x3], $0x80, s26, s14, $0xb8;
	[tilespmem:$0x11400] =	vst v63  }
0x4c: {  	_ =	swait.ge [sflag:s12], $0x4000  }
0x4d: {  	[sflag:s12] =	ssyncset.done $0x0  }
0x4e: {  	[sflag:s12] =	ssyncadd.s32 $0xFFFFC000  }
0x4f: {  	_ =	swait.ge [sflag:s16], $0x4000  }
0x50: {  	[sflag:s16] =	ssyncset.done $0x0  }
0x51: {  	s28 =	sadd.s32 $0x280, s22;
	[sflag:s16] =	ssyncadd.s32 $0xFFFFC000  }
0x52: {  	[tilespmem:s17], [sflag:$0x1] =	stream.indirect.gather [hbm4b:s1+s14], $0x80, s28, s14, $0xb8;
	[tilespmem:$0x11400] =	vst v63  }
0x53: {  	s29 =	sadd.s32 $0xC00, s22  }
0x54: {  	[spmem:s3] =	stream.indirect.scatter.add.f32 [tilespmem:s15], [sflag:$0x3], $0x80, s29, s14, $0xb8;
	[tilespmem:$0x11400] =	vst v63  }
0x55: {  	_ =	swait.ge [sflag:s12], $0x4000  }
0x56: {  	[sflag:s12] =	ssyncset.done $0x0  }
0x57: {  	[sflag:s12] =	ssyncadd.s32 $0xFFFFC000  }
0x58: {  	_ =	swait.ge [sflag:s16], $0x4000  }
0x59: {  	[sflag:s16] =	ssyncset.done $0x0  }
0x5a: {  	s30 =	sadd.s32 $0x300, s22;
	[sflag:s16] =	ssyncadd.s32 $0xFFFFC000  }
0x5b: {  	[tilespmem:s15], [sflag:$0x1] =	stream.indirect.gather [hbm4b:s1+s14], $0x80, s30, s14, $0xb8;
	[tilespmem:$0x11400] =	vst v63  }
0x5c: {  	s31 =	sadd.s32 $0xC80, s22  }
0x5d: {  	[spmem:s3] =	stream.indirect.scatter.add.f32 [tilespmem:s17], [sflag:$0x3], $0x80, s31, s14, $0xb8;
	[tilespmem:$0x11400] =	vst v63  }
0x5e: {  	_ =	swait.ge [sflag:s12], $0x4000  }
0x5f: {  	[sflag:s12] =	ssyncset.done $0x0  }
0x60: {  	[sflag:s12] =	ssyncadd.s32 $0xFFFFC000  }
0x61: {  	_ =	swait.ge [sflag:s16], $0x4000  }
0x62: {  	[sflag:s16] =	ssyncset.done $0x0  }
0x63: {  	s24 =	sadd.s32 $0x380, s22;
	[sflag:s16] =	ssyncadd.s32 $0xFFFFC000  }
0x64: {  	[tilespmem:s17], [sflag:$0x1] =	stream.indirect.gather [hbm4b:s1+s14], $0x80, s24, s14, $0xb8;
	[tilespmem:$0x11400] =	vst v63  }
0x65: {  	s25 =	sadd.s32 $0xD00, s22  }
0x66: {  	[spmem:s3] =	stream.indirect.scatter.add.f32 [tilespmem:s15], [sflag:$0x3], $0x80, s25, s14, $0xb8;
	[tilespmem:$0x11400] =	vst v63  }
0x67: {  	_ =	swait.ge [sflag:s12], $0x4000  }
0x68: {  	[sflag:s12] =	ssyncset.done $0x0  }
0x69: {  	[sflag:s12] =	ssyncadd.s32 $0xFFFFC000  }
0x6a: {  	_ =	swait.ge [sflag:s16], $0x4000  }
0x6b: {  	[sflag:s16] =	ssyncset.done $0x0  }
0x6c: {  	s26 =	sadd.s32 $0x400, s22;
	[sflag:s16] =	ssyncadd.s32 $0xFFFFC000  }
0x6d: {  	[tilespmem:s15], [sflag:$0x1] =	stream.indirect.gather [hbm4b:s1+s14], $0x80, s26, s14, $0xb8;
	[tilespmem:$0x11400] =	vst v63  }
0x6e: {  	s28 =	sadd.s32 $0xD80, s22  }
0x6f: {  	[spmem:s3] =	stream.indirect.scatter.add.f32 [tilespmem:s17], [sflag:$0x3], $0x80, s28, s14, $0xb8;
	[tilespmem:$0x11400] =	vst v63  }
0x70: {  	_ =	swait.ge [sflag:s12], $0x4000  }
0x71: {  	[sflag:s12] =	ssyncset.done $0x0  }
0x72: {  	[sflag:s12] =	ssyncadd.s32 $0xFFFFC000  }
0x73: {  	_ =	swait.ge [sflag:s16], $0x4000  }
0x74: {  	[sflag:s16] =	ssyncset.done $0x0  }
0x75: {  	s29 =	sadd.s32 $0x480, s22;
	[sflag:s16] =	ssyncadd.s32 $0xFFFFC000  }
0x76: {  	[tilespmem:s17], [sflag:$0x1] =	stream.indirect.gather [hbm4b:s1+s14], $0x80, s29, s14, $0xb8;
	[tilespmem:$0x11400] =	vst v63  }
0x77: {  	s30 =	sadd.s32 $0xE00, s22  }
0x78: {  	[spmem:s3] =	stream.indirect.scatter.add.f32 [tilespmem:s15], [sflag:$0x3], $0x80, s30, s14, $0xb8;
	[tilespmem:$0x11400] =	vst v63  }
0x79: {  	_ =	swait.ge [sflag:s12], $0x4000  }
0x7a: {  	[sflag:s12] =	ssyncset.done $0x0  }
0x7b: {  	[sflag:s12] =	ssyncadd.s32 $0xFFFFC000  }
0x7c: {  	_ =	swait.ge [sflag:s16], $0x4000  }
0x7d: {  	[sflag:s16] =	ssyncset.done $0x0  }
0x7e: {  	s23 =	simm.s32 @!p0 $0x80;
	s24 =	simm.s32 @!p0 $0x1400;
	[sflag:s16] =	ssyncadd.s32 $0xFFFFC000  }
0x7f: {  	[tilespmem:s24], [sflag:$0x1] =	stream.indirect.gather @!p0 [hbm4b:s1+s23], $0x80, s21, s23, $0xb8;
	[tilespmem:$0x11400] =	vst v63  }
0x80: {  	s31 =	sadd.s32 $0xE80, s22  }
0x81: {  	[spmem:s3] =	stream.indirect.scatter.add.f32 [tilespmem:s17], [sflag:$0x3], $0x80, s31, s14, $0xb8;
	[tilespmem:$0x11400] =	vst v63  }
0x82: {  	_ =	swait.ge [sflag:s12], $0x4000  }
0x83: {  	p6 =	por $0x1, $0x1;
	[sflag:s12] =	ssyncset.done $0x0  }
0x84: {  	s22 =	simm.s32 $0x1;
	s25 =	sshrl.u32 s20, $0x3;
	[sflag:s12] =	ssyncadd.s32 $0xFFFFC000  }
0x85: {  	[spmem:s3] =	stream.indirect.scatter.add.f32 [tilespmem:s13], [sflag:$0x3], $0x80, s31, s14, $0xb8;
	[tilespmem:$0x11400] =	vst v63  }
0x86: {  	s20 =	sadd.s32 $0x400, s10;
	s23 =	simm.s32 $0x2;
	_ =	swait.ge [sflag:s12], $0x4000  }
0x87: {  	p0 =	por p6, p6;
	s21 =	sadd.s32 $0xA0, s9;
	[sflag:s12] =	ssyncset.done $0x0  }
0x88: {  	s24 =	smov.u32 s10;
	s26 =	rddreg [dreg:$0x5];
	[sflag:s12] =	ssyncadd.s32 $0xFFFFC000  }
.LBB2_2:
0x89: {  	[hbm:s24], [sflag:s26] =	dma.local [spmem:s25], $0x400  }
0x8a: {  	s30 =	smov.u32 s23  }
0x8b: {  	s25 =	simm.s32 @!p0 $0x2;
	s29 =	sand.u32 $0x1, s22;
	p2 =	seq.s32 s22, $0xC  }
0x8c: {  	p3 =	slt.u32 s30, $0x2;
	_ =	swait.ge @!p0 [sflag:s25], $0x400;
	s22 =	sxor.u32 $0x1, s29  }
0x8d: {  	s31 =	sshll.u32 s29, $0xD;
	[sflag:s25] =	ssyncset.done @!p0 $0x0;
	s28 =	rddreg [dreg:$0x4]  }
0x8e: {  	s29 =	smul.u32 $0x1400, s29;
	[sflag:s25] =	ssyncadd.s32 @!p0 $0xFFFFFC00;
	s25 =	sadd.s32 s31, s28  }
0x8f: {  	[spmem:s25] =	stream.linear.scatter [tilespmem:s13], [sflag:$0x3], $0x2000, $0x38;
	[tilespmem:$0x11400] =	vst v63  }
0x90: {  	s28 =	smul.u32 @!p2 $0x1400, s22;
	s22 =	smov.u32 s30;
	_ =	swait.ge [sflag:s12], $0x2000  }
0x91: {  	s26 =	sshrl.u32 s29, $0x2;
	s29 =	simm.s32 @!p2 $0x3;
	[sflag:s12] =	ssyncset.done $0x0  }
0x92: {  	s30 =	simm.s32 @!p2 $0x0;
	s28 =	sshrl.u32 @!p2 s28, $0x2;
	[sflag:s12] =	ssyncadd.s32 $0xFFFFE000  }
0x93: {  	[tilespmem:s28], [sflag:$0x3] =	stream.linear.gather @!p2 [hbm4b:s21+s30], $0x500, $0x38;
	[tilespmem:$0x11400] =	vst v63  }
0x94: {  	_ =	swait.ge @!p2 [sflag:s29], $0x500  }
0x95: {  	[sflag:s29] =	ssyncset.done @!p2 $0x0  }
0x96: {  	[sflag:s29] =	ssyncadd.s32 @!p2 $0xFFFFFB00  }
0x97: {  	_ =	swait.ge [sflag:s16], $0x4000  }
0x98: {  	[sflag:s16] =	ssyncset.done $0x0  }
0x99: {  	s30 =	sor.u32 $0x80, s26;
	[sflag:s16] =	ssyncadd.s32 $0xFFFFC000  }
0x9a: {  	[tilespmem:s17], [sflag:$0x1] =	stream.indirect.gather [hbm4b:s1+s14], $0x80, s30, s14, $0xb8;
	[tilespmem:$0x11400] =	vst v63  }
0x9b: {  	s31 =	sadd.s32 $0xA00, s26  }
0x9c: {  	[spmem:s3] =	stream.indirect.scatter.add.f32 [tilespmem:s15], [sflag:$0x3], $0x80, s31, s14, $0xb8;
	[tilespmem:$0x11400] =	vst v63  }
0x9d: {  	_ =	swait.ge [sflag:s12], $0x4000  }
0x9e: {  	[sflag:s12] =	ssyncset.done $0x0  }
0x9f: {  	[sflag:s12] =	ssyncadd.s32 $0xFFFFC000  }
0xa0: {  	_ =	swait.ge [sflag:s16], $0x4000  }
0xa1: {  	[sflag:s16] =	ssyncset.done $0x0  }
0xa2: {  	s30 =	sadd.s32 $0x100, s26;
	[sflag:s16] =	ssyncadd.s32 $0xFFFFC000  }
0xa3: {  	[tilespmem:s15], [sflag:$0x1] =	stream.indirect.gather [hbm4b:s1+s14], $0x80, s30, s14, $0xb8;
	[tilespmem:$0x11400] =	vst v63  }
0xa4: {  	s31 =	sadd.s32 $0xA80, s26  }
0xa5: {  	[spmem:s3] =	stream.indirect.scatter.add.f32 [tilespmem:s17], [sflag:$0x3], $0x80, s31, s14, $0xb8;
	[tilespmem:$0x11400] =	vst v63  }
0xa6: {  	_ =	swait.ge [sflag:s12], $0x4000  }
0xa7: {  	[sflag:s12] =	ssyncset.done $0x0  }
0xa8: {  	[sflag:s12] =	ssyncadd.s32 $0xFFFFC000  }
0xa9: {  	_ =	swait.ge [sflag:s16], $0x4000  }
0xaa: {  	[sflag:s16] =	ssyncset.done $0x0  }
0xab: {  	s30 =	sadd.s32 $0x180, s26;
	[sflag:s16] =	ssyncadd.s32 $0xFFFFC000  }
0xac: {  	[tilespmem:s17], [sflag:$0x1] =	stream.indirect.gather [hbm4b:s1+s14], $0x80, s30, s14, $0xb8;
	[tilespmem:$0x11400] =	vst v63  }
0xad: {  	s31 =	sadd.s32 $0xB00, s26  }
0xae: {  	[spmem:s3] =	stream.indirect.scatter.add.f32 [tilespmem:s15], [sflag:$0x3], $0x80, s31, s14, $0xb8;
	[tilespmem:$0x11400] =	vst v63  }
0xaf: {  	_ =	swait.ge [sflag:s12], $0x4000  }
0xb0: {  	[sflag:s12] =	ssyncset.done $0x0  }
0xb1: {  	[sflag:s12] =	ssyncadd.s32 $0xFFFFC000  }
0xb2: {  	_ =	swait.ge [sflag:s16], $0x4000  }
0xb3: {  	[sflag:s16] =	ssyncset.done $0x0  }
0xb4: {  	s30 =	sadd.s32 $0x200, s26;
	[sflag:s16] =	ssyncadd.s32 $0xFFFFC000  }
0xb5: {  	[tilespmem:s15], [sflag:$0x1] =	stream.indirect.gather [hbm4b:s1+s14], $0x80, s30, s14, $0xb8;
	[tilespmem:$0x11400] =	vst v63  }
0xb6: {  	s31 =	sadd.s32 $0xB80, s26  }
0xb7: {  	[spmem:s3] =	stream.indirect.scatter.add.f32 [tilespmem:s17], [sflag:$0x3], $0x80, s31, s14, $0xb8;
	[tilespmem:$0x11400] =	vst v63  }
0xb8: {  	_ =	swait.ge [sflag:s12], $0x4000  }
0xb9: {  	[sflag:s12] =	ssyncset.done $0x0  }
0xba: {  	[sflag:s12] =	ssyncadd.s32 $0xFFFFC000  }
0xbb: {  	_ =	swait.ge [sflag:s16], $0x4000  }
0xbc: {  	[sflag:s16] =	ssyncset.done $0x0  }
0xbd: {  	s30 =	sadd.s32 $0x280, s26;
	[sflag:s16] =	ssyncadd.s32 $0xFFFFC000  }
0xbe: {  	[tilespmem:s17], [sflag:$0x1] =	stream.indirect.gather [hbm4b:s1+s14], $0x80, s30, s14, $0xb8;
	[tilespmem:$0x11400] =	vst v63  }
0xbf: {  	s31 =	sadd.s32 $0xC00, s26  }
0xc0: {  	[spmem:s3] =	stream.indirect.scatter.add.f32 [tilespmem:s15], [sflag:$0x3], $0x80, s31, s14, $0xb8;
	[tilespmem:$0x11400] =	vst v63  }
0xc1: {  	_ =	swait.ge [sflag:s12], $0x4000  }
0xc2: {  	[sflag:s12] =	ssyncset.done $0x0  }
0xc3: {  	[sflag:s12] =	ssyncadd.s32 $0xFFFFC000  }
0xc4: {  	_ =	swait.ge [sflag:s16], $0x4000  }
0xc5: {  	[sflag:s16] =	ssyncset.done $0x0  }
0xc6: {  	s30 =	sadd.s32 $0x300, s26;
	[sflag:s16] =	ssyncadd.s32 $0xFFFFC000  }
0xc7: {  	[tilespmem:s15], [sflag:$0x1] =	stream.indirect.gather [hbm4b:s1+s14], $0x80, s30, s14, $0xb8;
	[tilespmem:$0x11400] =	vst v63  }
0xc8: {  	s31 =	sadd.s32 $0xC80, s26  }
0xc9: {  	[spmem:s3] =	stream.indirect.scatter.add.f32 [tilespmem:s17], [sflag:$0x3], $0x80, s31, s14, $0xb8;
	[tilespmem:$0x11400] =	vst v63  }
0xca: {  	_ =	swait.ge [sflag:s12], $0x4000  }
0xcb: {  	[sflag:s12] =	ssyncset.done $0x0  }
0xcc: {  	[sflag:s12] =	ssyncadd.s32 $0xFFFFC000  }
0xcd: {  	_ =	swait.ge [sflag:s16], $0x4000  }
0xce: {  	[sflag:s16] =	ssyncset.done $0x0  }
0xcf: {  	s30 =	sadd.s32 $0x380, s26;
	[sflag:s16] =	ssyncadd.s32 $0xFFFFC000  }
0xd0: {  	[tilespmem:s17], [sflag:$0x1] =	stream.indirect.gather [hbm4b:s1+s14], $0x80, s30, s14, $0xb8;
	[tilespmem:$0x11400] =	vst v63  }
0xd1: {  	s31 =	sadd.s32 $0xD00, s26  }
0xd2: {  	[spmem:s3] =	stream.indirect.scatter.add.f32 [tilespmem:s15], [sflag:$0x3], $0x80, s31, s14, $0xb8;
	[tilespmem:$0x11400] =	vst v63  }
0xd3: {  	_ =	swait.ge [sflag:s12], $0x4000  }
0xd4: {  	[sflag:s12] =	ssyncset.done $0x0  }
0xd5: {  	[sflag:s12] =	ssyncadd.s32 $0xFFFFC000  }
0xd6: {  	_ =	swait.ge [sflag:s16], $0x4000  }
0xd7: {  	[sflag:s16] =	ssyncset.done $0x0  }
0xd8: {  	s30 =	sadd.s32 $0x400, s26;
	[sflag:s16] =	ssyncadd.s32 $0xFFFFC000  }
0xd9: {  	[tilespmem:s15], [sflag:$0x1] =	stream.indirect.gather [hbm4b:s1+s14], $0x80, s30, s14, $0xb8;
	[tilespmem:$0x11400] =	vst v63  }
0xda: {  	s31 =	sadd.s32 $0xD80, s26  }
0xdb: {  	[spmem:s3] =	stream.indirect.scatter.add.f32 [tilespmem:s17], [sflag:$0x3], $0x80, s31, s14, $0xb8;
	[tilespmem:$0x11400] =	vst v63  }
0xdc: {  	_ =	swait.ge [sflag:s12], $0x4000  }
0xdd: {  	[sflag:s12] =	ssyncset.done $0x0  }
0xde: {  	[sflag:s12] =	ssyncadd.s32 $0xFFFFC000  }
0xdf: {  	_ =	swait.ge [sflag:s16], $0x4000  }
0xe0: {  	[sflag:s16] =	ssyncset.done $0x0  }
0xe1: {  	s30 =	sadd.s32 $0x480, s26;
	[sflag:s16] =	ssyncadd.s32 $0xFFFFC000  }
0xe2: {  	[tilespmem:s17], [sflag:$0x1] =	stream.indirect.gather [hbm4b:s1+s14], $0x80, s30, s14, $0xb8;
	[tilespmem:$0x11400] =	vst v63  }
0xe3: {  	s31 =	sadd.s32 $0xE00, s26  }
0xe4: {  	[spmem:s3] =	stream.indirect.scatter.add.f32 [tilespmem:s15], [sflag:$0x3], $0x80, s31, s14, $0xb8;
	[tilespmem:$0x11400] =	vst v63  }
0xe5: {  	_ =	swait.ge [sflag:s12], $0x4000  }
0xe6: {  	[sflag:s12] =	ssyncset.done $0x0  }
0xe7: {  	[sflag:s12] =	ssyncadd.s32 $0xFFFFC000  }
0xe8: {  	_ =	swait.ge [sflag:s16], $0x4000  }
0xe9: {  	[sflag:s16] =	ssyncset.done $0x0  }
0xea: {  	s29 =	simm.s32 @!p2 $0x80;
	s30 =	simm.s32 @!p2 $0x1400;
	[sflag:s16] =	ssyncadd.s32 $0xFFFFC000  }
0xeb: {  	[tilespmem:s30], [sflag:$0x1] =	stream.indirect.gather @!p2 [hbm4b:s1+s29], $0x80, s28, s29, $0xb8;
	[tilespmem:$0x11400] =	vst v63  }
0xec: {  	s26 =	sadd.s32 $0xE80, s26  }
0xed: {  	[spmem:s3] =	stream.indirect.scatter.add.f32 [tilespmem:s17], [sflag:$0x3], $0x80, s26, s14, $0xb8;
	[tilespmem:$0x11400] =	vst v63  }
0xee: {  	s23 =	sadd.s32 $0x1, s23;
	_ =	swait.ge [sflag:s12], $0x4000  }
0xef: {  	p1 =	sne.s32 s23, $0xD;
	[sflag:s12] =	ssyncset.done $0x0  }
.Ltmp0:
0xf0: {  	[sflag:s12] =	ssyncadd.s32 $0xFFFFC000;
	(pc) =	sbr.rel @p1 .LBB2_2-.Ltmp0, $4  }
0xf1: {  	[spmem:s3] =	stream.indirect.scatter.add.f32 [tilespmem:s13], [sflag:$0x3], $0x80, s26, s14, $0xb8;
	[tilespmem:$0x11400] =	vst v63  }
0xf2: {  	s24 =	smov.u32 s20;
	s20 =	sadd.s32 $0x400, s20;
	_ =	swait.ge [sflag:s12], $0x4000  }
0xf3: {  	p0 =	por p3, p3;
	s25 =	sshrl.u32 s25, $0x3;
	[sflag:s12] =	ssyncset.done $0x0  }
0xf4: {  	s21 =	sadd.s32 $0xA0, s21;
	s26 =	rddreg [dreg:$0x5];
	[sflag:s12] =	ssyncadd.s32 $0xFFFFC000  }
0xf5: {  	[hbm:s24], [sflag:s26] =	dma.local [spmem:s25], $0x400  }
0xf6: {  	s23 =	simm.s32 @!p0 $0x2;
	s28 =	sand.u32 $0x1, s22  }
0xf7: {  	_ =	swait.ge @!p0 [sflag:s23], $0x400;
	s29 =	sshll.u32 s28, $0xD  }
0xf8: {  	s26 =	sxor.u32 $0x1, s28;
	s25 =	rddreg [dreg:$0x4];
	[sflag:s23] =	ssyncset.done @!p0 $0x0  }
0xf9: {  	[sflag:s23] =	ssyncadd.s32 @!p0 $0xFFFFFC00;
	p0 =	seq.s32 s22, $0xC;
	s22 =	sadd.s32 s29, s25  }
0xfa: {  	[spmem:s22] =	stream.linear.scatter [tilespmem:s13], [sflag:$0x3], $0x2000, $0x38;
	[tilespmem:$0x11400] =	vst v63  }
0xfb: {  	s23 =	smul.u32 @!p0 $0x1400, s26;
	_ =	swait.ge [sflag:s12], $0x2000  }
0xfc: {  	s24 =	simm.s32 @!p0 $0x3;
	[sflag:s12] =	ssyncset.done $0x0  }
0xfd: {  	s26 =	simm.s32 @!p0 $0x0;
	s23 =	sshrl.u32 @!p0 s23, $0x2;
	[sflag:s12] =	ssyncadd.s32 $0xFFFFE000  }
0xfe: {  	[tilespmem:s23], [sflag:$0x3] =	stream.linear.gather @!p0 [hbm4b:s21+s26], $0x500, $0x38;
	[tilespmem:$0x11400] =	vst v63  }
0xff: {  	_ =	swait.ge @!p0 [sflag:s24], $0x500  }
0x100: {  	[sflag:s24] =	ssyncset.done @!p0 $0x0  }
0x101: {  	s30 =	smul.u32 $0x1400, s28;
	[sflag:s24] =	ssyncadd.s32 @!p0 $0xFFFFFB00  }
0x102: {  	_ =	swait.ge [sflag:s16], $0x4000  }
0x103: {  	s21 =	sshrl.u32 s30, $0x2;
	[sflag:s16] =	ssyncset.done $0x0  }
0x104: {  	s31 =	sor.u32 $0x80, s21;
	[sflag:s16] =	ssyncadd.s32 $0xFFFFC000  }
0x105: {  	[tilespmem:s17], [sflag:$0x1] =	stream.indirect.gather [hbm4b:s1+s14], $0x80, s31, s14, $0xb8;
	[tilespmem:$0x11400] =	vst v63  }
0x106: {  	s25 =	sadd.s32 $0xA00, s21  }
0x107: {  	[spmem:s3] =	stream.indirect.scatter.add.f32 [tilespmem:s15], [sflag:$0x3], $0x80, s25, s14, $0xb8;
	[tilespmem:$0x11400] =	vst v63  }
0x108: {  	_ =	swait.ge [sflag:s12], $0x4000  }
0x109: {  	[sflag:s12] =	ssyncset.done $0x0  }
0x10a: {  	[sflag:s12] =	ssyncadd.s32 $0xFFFFC000  }
0x10b: {  	_ =	swait.ge [sflag:s16], $0x4000  }
0x10c: {  	[sflag:s16] =	ssyncset.done $0x0  }
0x10d: {  	s26 =	sadd.s32 $0x100, s21;
	[sflag:s16] =	ssyncadd.s32 $0xFFFFC000  }
0x10e: {  	[tilespmem:s15], [sflag:$0x1] =	stream.indirect.gather [hbm4b:s1+s14], $0x80, s26, s14, $0xb8;
	[tilespmem:$0x11400] =	vst v63  }
0x10f: {  	s28 =	sadd.s32 $0xA80, s21  }
0x110: {  	[spmem:s3] =	stream.indirect.scatter.add.f32 [tilespmem:s17], [sflag:$0x3], $0x80, s28, s14, $0xb8;
	[tilespmem:$0x11400] =	vst v63  }
0x111: {  	_ =	swait.ge [sflag:s12], $0x4000  }
0x112: {  	[sflag:s12] =	ssyncset.done $0x0  }
0x113: {  	[sflag:s12] =	ssyncadd.s32 $0xFFFFC000  }
0x114: {  	_ =	swait.ge [sflag:s16], $0x4000  }
0x115: {  	[sflag:s16] =	ssyncset.done $0x0  }
0x116: {  	s29 =	sadd.s32 $0x180, s21;
	[sflag:s16] =	ssyncadd.s32 $0xFFFFC000  }
0x117: {  	[tilespmem:s17], [sflag:$0x1] =	stream.indirect.gather [hbm4b:s1+s14], $0x80, s29, s14, $0xb8;
	[tilespmem:$0x11400] =	vst v63  }
0x118: {  	s30 =	sadd.s32 $0xB00, s21  }
0x119: {  	[spmem:s3] =	stream.indirect.scatter.add.f32 [tilespmem:s15], [sflag:$0x3], $0x80, s30, s14, $0xb8;
	[tilespmem:$0x11400] =	vst v63  }
0x11a: {  	_ =	swait.ge [sflag:s12], $0x4000  }
0x11b: {  	[sflag:s12] =	ssyncset.done $0x0  }
0x11c: {  	[sflag:s12] =	ssyncadd.s32 $0xFFFFC000  }
0x11d: {  	_ =	swait.ge [sflag:s16], $0x4000  }
0x11e: {  	[sflag:s16] =	ssyncset.done $0x0  }
0x11f: {  	s31 =	sadd.s32 $0x200, s21;
	[sflag:s16] =	ssyncadd.s32 $0xFFFFC000  }
0x120: {  	[tilespmem:s15], [sflag:$0x1] =	stream.indirect.gather [hbm4b:s1+s14], $0x80, s31, s14, $0xb8;
	[tilespmem:$0x11400] =	vst v63  }
0x121: {  	s25 =	sadd.s32 $0xB80, s21  }
0x122: {  	[spmem:s3] =	stream.indirect.scatter.add.f32 [tilespmem:s17], [sflag:$0x3], $0x80, s25, s14, $0xb8;
	[tilespmem:$0x11400] =	vst v63  }
0x123: {  	_ =	swait.ge [sflag:s12], $0x4000  }
0x124: {  	[sflag:s12] =	ssyncset.done $0x0  }
0x125: {  	[sflag:s12] =	ssyncadd.s32 $0xFFFFC000  }
0x126: {  	_ =	swait.ge [sflag:s16], $0x4000  }
0x127: {  	[sflag:s16] =	ssyncset.done $0x0  }
0x128: {  	s26 =	sadd.s32 $0x280, s21;
	[sflag:s16] =	ssyncadd.s32 $0xFFFFC000  }
0x129: {  	[tilespmem:s17], [sflag:$0x1] =	stream.indirect.gather [hbm4b:s1+s14], $0x80, s26, s14, $0xb8;
	[tilespmem:$0x11400] =	vst v63  }
0x12a: {  	s28 =	sadd.s32 $0xC00, s21  }
0x12b: {  	[spmem:s3] =	stream.indirect.scatter.add.f32 [tilespmem:s15], [sflag:$0x3], $0x80, s28, s14, $0xb8;
	[tilespmem:$0x11400] =	vst v63  }
0x12c: {  	_ =	swait.ge [sflag:s12], $0x4000  }
0x12d: {  	[sflag:s12] =	ssyncset.done $0x0  }
0x12e: {  	[sflag:s12] =	ssyncadd.s32 $0xFFFFC000  }
0x12f: {  	_ =	swait.ge [sflag:s16], $0x4000  }
0x130: {  	[sflag:s16] =	ssyncset.done $0x0  }
0x131: {  	s29 =	sadd.s32 $0x300, s21;
	[sflag:s16] =	ssyncadd.s32 $0xFFFFC000  }
0x132: {  	[tilespmem:s15], [sflag:$0x1] =	stream.indirect.gather [hbm4b:s1+s14], $0x80, s29, s14, $0xb8;
	[tilespmem:$0x11400] =	vst v63  }
0x133: {  	s30 =	sadd.s32 $0xC80, s21  }
0x134: {  	[spmem:s3] =	stream.indirect.scatter.add.f32 [tilespmem:s17], [sflag:$0x3], $0x80, s30, s14, $0xb8;
	[tilespmem:$0x11400] =	vst v63  }
0x135: {  	_ =	swait.ge [sflag:s12], $0x4000  }
0x136: {  	[sflag:s12] =	ssyncset.done $0x0  }
0x137: {  	[sflag:s12] =	ssyncadd.s32 $0xFFFFC000  }
0x138: {  	_ =	swait.ge [sflag:s16], $0x4000  }
0x139: {  	[sflag:s16] =	ssyncset.done $0x0  }
0x13a: {  	s31 =	sadd.s32 $0x380, s21;
	[sflag:s16] =	ssyncadd.s32 $0xFFFFC000  }
0x13b: {  	[tilespmem:s17], [sflag:$0x1] =	stream.indirect.gather [hbm4b:s1+s14], $0x80, s31, s14, $0xb8;
	[tilespmem:$0x11400] =	vst v63  }
0x13c: {  	s25 =	sadd.s32 $0xD00, s21  }
0x13d: {  	[spmem:s3] =	stream.indirect.scatter.add.f32 [tilespmem:s15], [sflag:$0x3], $0x80, s25, s14, $0xb8;
	[tilespmem:$0x11400] =	vst v63  }
0x13e: {  	_ =	swait.ge [sflag:s12], $0x4000  }
0x13f: {  	[sflag:s12] =	ssyncset.done $0x0  }
0x140: {  	[sflag:s12] =	ssyncadd.s32 $0xFFFFC000  }
0x141: {  	_ =	swait.ge [sflag:s16], $0x4000  }
0x142: {  	[sflag:s16] =	ssyncset.done $0x0  }
0x143: {  	s26 =	sadd.s32 $0x400, s21;
	[sflag:s16] =	ssyncadd.s32 $0xFFFFC000  }
0x144: {  	[tilespmem:s15], [sflag:$0x1] =	stream.indirect.gather [hbm4b:s1+s14], $0x80, s26, s14, $0xb8;
	[tilespmem:$0x11400] =	vst v63  }
0x145: {  	s28 =	sadd.s32 $0xD80, s21  }
0x146: {  	[spmem:s3] =	stream.indirect.scatter.add.f32 [tilespmem:s17], [sflag:$0x3], $0x80, s28, s14, $0xb8;
	[tilespmem:$0x11400] =	vst v63  }
0x147: {  	_ =	swait.ge [sflag:s12], $0x4000  }
0x148: {  	[sflag:s12] =	ssyncset.done $0x0  }
0x149: {  	[sflag:s12] =	ssyncadd.s32 $0xFFFFC000  }
0x14a: {  	_ =	swait.ge [sflag:s16], $0x4000  }
0x14b: {  	[sflag:s16] =	ssyncset.done $0x0  }
0x14c: {  	s29 =	sadd.s32 $0x480, s21;
	[sflag:s16] =	ssyncadd.s32 $0xFFFFC000  }
0x14d: {  	[tilespmem:s17], [sflag:$0x1] =	stream.indirect.gather [hbm4b:s1+s14], $0x80, s29, s14, $0xb8;
	[tilespmem:$0x11400] =	vst v63  }
0x14e: {  	s30 =	sadd.s32 $0xE00, s21  }
0x14f: {  	[spmem:s3] =	stream.indirect.scatter.add.f32 [tilespmem:s15], [sflag:$0x3], $0x80, s30, s14, $0xb8;
	[tilespmem:$0x11400] =	vst v63  }
0x150: {  	_ =	swait.ge [sflag:s12], $0x4000  }
0x151: {  	[sflag:s12] =	ssyncset.done $0x0  }
0x152: {  	[sflag:s12] =	ssyncadd.s32 $0xFFFFC000  }
0x153: {  	_ =	swait.ge [sflag:s16], $0x4000  }
0x154: {  	[sflag:s16] =	ssyncset.done $0x0  }
0x155: {  	s24 =	simm.s32 @!p0 $0x80;
	s25 =	simm.s32 @!p0 $0x1400;
	[sflag:s16] =	ssyncadd.s32 $0xFFFFC000  }
0x156: {  	[tilespmem:s25], [sflag:$0x1] =	stream.indirect.gather @!p0 [hbm4b:s1+s24], $0x80, s23, s24, $0xb8;
	[tilespmem:$0x11400] =	vst v63  }
0x157: {  	s21 =	sadd.s32 $0xE80, s21  }
0x158: {  	[spmem:s3] =	stream.indirect.scatter.add.f32 [tilespmem:s17], [sflag:$0x3], $0x80, s21, s14, $0xb8;
	[tilespmem:$0x11400] =	vst v63  }
0x159: {  	_ =	swait.ge [sflag:s12], $0x4000  }
0x15a: {  	[sflag:s12] =	ssyncset.done $0x0  }
0x15b: {  	[sflag:s12] =	ssyncadd.s32 $0xFFFFC000  }
0x15c: {  	[spmem:s3] =	stream.indirect.scatter.add.f32 [tilespmem:s13], [sflag:$0x3], $0x80, s21, s14, $0xb8;
	[tilespmem:$0x11400] =	vst v63  }
0x15d: {  	_ =	swait.ge [sflag:s12], $0x4000  }
0x15e: {  	s19 =	sadd.s32 $0x1, s19;
	[sflag:s12] =	ssyncset.done $0x0  }
0x15f: {  	s22 =	sshrl.u32 s22, $0x3;
	s31 =	rddreg [dreg:$0x5];
	[sflag:s12] =	ssyncadd.s32 $0xFFFFC000  }
0x160: {  	[hbm:s20], [sflag:s31] =	dma.local [spmem:s22], $0x400  }
0x161: {  	p0 =	sne.s32 s19, s8;
	_ =	swait.ge [sflag:s18], $0x400  }
.Ltmp1:
0x162: {  	[sflag:s18] =	ssyncset.done $0x0;
	(pc) =	sbr.rel @p0 .LBB2_1-.Ltmp1, $4  }
0x163: {  	[sflag:s18] =	ssyncadd.s32 $0xFFFFFC00  }
0x164: {  	_ =	swait.ge [sflag:s18], $0x400  }
0x165: {  	[sflag:s18] =	ssyncset.done $0x0  }
0x166: {  	[sflag:s18] =	ssyncadd.s32 $0xFFFFFC00  }
0x167: {  	_ =	sfence.sel $0x180000  }
0x168: {  	[bflag:$0x0] =	sbarrier.arrive $0xFFFF  }
0x169: {  	p0 =	sne.s32 s0, $0x0;
	_ =	strace $0x90000047  }
0x16a: {  	s0 =	sadd.s32 @!p0 $0x100000, s2;
	[bflag:$0x2] =	sbarrier.arrive $0xFFFF  }
0x16b: {  	[sflag:s0] =	ssyncadd.tile.s32 @!p0 $0x1;
	_ =	shalt  }
.Lfunc_end2:
_tile_overlayer_lowered:
.L_overlay_start_2:
0x16c: {  	(tag) =	ssettag $0x2  }
0x16d: {  	s0 =	rddreg [dreg:$0x0];
	s2 =	stileid.u32  }
0x16e: {  	s1 =	rddreg [dreg:$0x1];
	p0 =	sne.s32 s2, $0x0  }
0x16f: {  	s3 =	rddreg [dreg:$0x2];
	[bflag:$0x3] =	sbarrier.arrive $0xFFFF;
	s2 =	simm.s32 @!p0 $0x1C03  }
0x170: {  	[timem:s3], [sflag:s2] =	dma.local @!p0 [hbm:s0], s1  }
0x171: {  	s0 =	simm.s32 @!p0 $0x3  }
0x172: {  	_ =	swait.ge @!p0 [sflag:s0], s1  }
0x173: {  	s1 =	ssub.s32 @!p0 $0x0, s1;
	[sflag:s0] =	ssyncset.done @!p0 $0x0  }
0x174: {  	[sflag:s0] =	ssyncadd.s32 @!p0 s1  }
0x175: {  	[bflag:$0x3] =	sbarrier.arrive $0xFFFF  }
0x176: {  	_ =	shalt  }

</sc_bundles>
